<compile_context>
chip_gen: v7x
topology: tpu7x:2x2x1
jax: 0.10.2.dev20260603
libtpu: 0.0.44.dev20260713+nightly
codegen_flags: <defaults>
</compile_context>

<pallas_src>
import functools
import numpy as np
import jax
import jax.numpy as jnp
from jax import lax
from jax.experimental import pallas as pl
from jax.experimental.pallas import tpu as pltpu
from jax.experimental.pallas import tpu_sc as plsc

BS = 2
EMBED = 256
HEADS = 8
LEVELS = 4
POINTS = 4
_SHAPES = np.array([[64, 64], [32, 32], [16, 16], [8, 8]], dtype=np.int64)
_SIZES = (_SHAPES[:, 0] * _SHAPES[:, 1]).astype(np.int64)
NK = int(_SIZES.sum())
NQ = NK
HLP = HEADS * LEVELS * POINTS
ROWS = BS * NQ
RBLK = 544
NBLK = ROWS // RBLK
CQ = 160
NCHUNK = NQ // CQ

_lane_l = np.tile(np.repeat(np.arange(LEVELS), POINTS), HEADS)
_WL = _SHAPES[_lane_l, 1].astype(np.float32)
_HL = _SHAPES[_lane_l, 0].astype(np.float32)
_STARTS = np.concatenate([[0], np.cumsum(_SIZES)]).astype(np.float32)
_STARTL = _STARTS[_lane_l]

_CONSTS = np.zeros((8, HLP), np.float32)
_CONSTS[0] = _WL
_CONSTS[1] = _HL
_CONSTS[2] = _STARTL

_h = np.arange(HLP) // (LEVELS * POINTS)
_l = (np.arange(HLP) // POINTS) % LEVELS
_p = np.arange(HLP) % POINTS
_old_base = ((_h * LEVELS + _l) * POINTS + _p) * 2
_OFF_PERM = np.concatenate([_old_base + 0, _old_base + 1])

_SMM = np.kron(np.eye(HEADS, dtype=np.float32), np.ones((16, 16), np.float32))

_CORNERS = ((0, 0), (0, 1), (1, 0), (1, 1))


def _stage_a_math(qry, val, refx, refy, Wv, bv, Woffp, boffp, Wattn, battn, consts, smm):
    v = jnp.dot(val, Wv, preferred_element_type=jnp.float32) + bv
    off = jnp.dot(qry, Woffp, preferred_element_type=jnp.float32) + boffp
    logits = jnp.dot(qry, Wattn, preferred_element_type=jnp.float32) + battn
    e = jnp.exp(logits)
    denom = jnp.dot(e, smm, preferred_element_type=jnp.float32)
    aw = e / denom
    wl = consts[0:1, :]
    hl = consts[1:2, :]
    startl = consts[2:3, :]
    px = refx * wl + off[:, :HLP] - 0.5
    py = refy * hl + off[:, HLP:] - 0.5
    x0 = jnp.floor(px)
    y0 = jnp.floor(py)
    fx = px - x0
    fy = py - y0
    idx_parts = []
    w_parts = []
    for cy, cx in _CORNERS:
        xi = x0 + float(cx)
        yi = y0 + float(cy)
        valid = ((xi >= 0.0) & (xi <= wl - 1.0) & (yi >= 0.0) & (yi <= hl - 1.0))
        xc = jnp.clip(xi, 0.0, wl - 1.0)
        yc = jnp.clip(yi, 0.0, hl - 1.0)
        idx_f = (startl + yc * wl + xc) * 16.0
        wx = fx if cx == 1 else (1.0 - fx)
        wy = fy if cy == 1 else (1.0 - fy)
        wgt = wx * wy * aw * valid.astype(jnp.float32)
        idx_parts.append(idx_f.astype(jnp.int32))
        w_parts.append(wgt)
    idx = jnp.concatenate(idx_parts, axis=-1)
    w = jnp.concatenate(w_parts, axis=-1)
    return v, idx, w


def _head_slice(x, h):
    return jnp.concatenate([x[:, co * HLP + h * 16: co * HLP + h * 16 + 16]
                            for co in range(4)], axis=-1)


def _kernel_a_body(qry_ref, val_ref, refx_ref, refy_ref, Wv_ref, bv_ref, Woffp_ref,
                   boffp_ref, Wattn_ref, battn_ref, consts_ref, smm_ref,
                   v_ref, idx_ref, w_ref):
    v, idx, w = _stage_a_math(
        qry_ref[...], val_ref[...], refx_ref[...], refy_ref[...],
        Wv_ref[...], bv_ref[...], Woffp_ref[...], boffp_ref[...],
        Wattn_ref[...], battn_ref[...], consts_ref[...], smm_ref[...])
    for h in range(HEADS):
        for half in range(2):
            v_ref[0, h, half] = v[:, h * 32 + half * 16: h * 32 + half * 16 + 16]
        idx_ref[0, h] = _head_slice(idx, h)
        w_ref[0, h] = _head_slice(w, h)


def _kernel_c_body(s_ref, q_ref, Wout_ref, bout_ref, o_ref):
    s = jnp.concatenate([s_ref[0, h, half] for h in range(HEADS)
                         for half in range(2)], axis=-1)
    o_ref[...] = (jnp.dot(s, Wout_ref[...], preferred_element_type=jnp.float32)
                  + bout_ref[...] + q_ref[...])


def _sc_gather(table_hbm, idx_hbm, w_hbm, out_hbm, table_v, idx_v, w_v, out_v):
    wid = lax.axis_index("s") * 2 + lax.axis_index("c")
    b = wid // 16
    r = wid - b * 16
    h = r // 2
    half = r - h * 2
    t2 = b * HEADS + h
    t3 = t2 * 2 + half
    pltpu.sync_copy(table_hbm.at[t3], table_v)

    def chunk(ci, carry):
        e0 = ci * (CQ * 64)
        pltpu.sync_copy(idx_hbm.at[t2, pl.ds(e0, CQ * 64)], idx_v)
        pltpu.sync_copy(w_hbm.at[t2, pl.ds(e0, CQ * 64)], w_v)

        def qstep(qi, c2):
            acc = [jnp.zeros((16,), jnp.float32) for _ in range(4)]
            qb = qi * 64
            for g in range(4):
                iv = idx_v[pl.ds(qb + g * 16, 16)]
                wv = w_v[pl.ds(qb + g * 16, 16)]
                for k in range(16):
                    i = iv[k]
                    wgt = wv[k]
                    row = table_v[pl.ds(i, 16)]
                    acc[k % 4] = acc[k % 4] + wgt * row
            out_v[pl.ds(qi * 16, 16)] = (acc[0] + acc[1]) + (acc[2] + acc[3])
            return c2

        lax.fori_loop(0, CQ, qstep, 0)
        pltpu.sync_copy(out_v, out_hbm.at[t3, pl.ds(ci * (CQ * 16), CQ * 16)])
        return carry

    lax.fori_loop(0, NCHUNK, chunk, 0)


def kernel(query, value, reference_points, spatial_shapes, Wv, bv, Woff, boff,
           Wattn, battn, Wout, bout):
    f32 = jnp.float32
    qflat = query.reshape(ROWS, EMBED)
    vflat = value.reshape(ROWS, EMBED)
    rx = jnp.broadcast_to(reference_points[:, :, None, :, None, 0],
                          (BS, NQ, HEADS, LEVELS, POINTS)).reshape(ROWS, HLP)
    ry = jnp.broadcast_to(reference_points[:, :, None, :, None, 1],
                          (BS, NQ, HEADS, LEVELS, POINTS)).reshape(ROWS, HLP)
    Woffp = Woff[:, _OFF_PERM]
    boffp = boff[_OFF_PERM].reshape(1, 2 * HLP)
    consts = jnp.asarray(_CONSTS)
    smm = jnp.asarray(_SMM)

    row_spec = lambda w: pl.BlockSpec((RBLK, w), lambda i: (i, 0))
    full_spec = lambda a, b: pl.BlockSpec((a, b), lambda i: (0, 0))

    v_out, idx_out, w_out = pl.pallas_call(
        _kernel_a_body,
        grid=(NBLK,),
        in_specs=[row_spec(EMBED), row_spec(EMBED), row_spec(HLP), row_spec(HLP),
                  full_spec(EMBED, EMBED), full_spec(1, EMBED),
                  full_spec(EMBED, 2 * HLP), full_spec(1, 2 * HLP),
                  full_spec(EMBED, HLP), full_spec(1, HLP),
                  full_spec(8, HLP), full_spec(HLP, HLP)],
        out_specs=[pl.BlockSpec((1, HEADS, 2, RBLK, 16),
                                lambda i: (i // (NQ // RBLK), 0, 0, i % (NQ // RBLK), 0)),
                   pl.BlockSpec((1, HEADS, RBLK, 64),
                                lambda i: (i // (NQ // RBLK), 0, i % (NQ // RBLK), 0)),
                   pl.BlockSpec((1, HEADS, RBLK, 64),
                                lambda i: (i // (NQ // RBLK), 0, i % (NQ // RBLK), 0))],
        out_shape=[jax.ShapeDtypeStruct((BS, HEADS, 2, NK, 16), f32),
                   jax.ShapeDtypeStruct((BS, HEADS, NQ, 64), jnp.int32),
                   jax.ShapeDtypeStruct((BS, HEADS, NQ, 64), f32)],
    )(qflat, vflat, rx, ry, Wv, bv.reshape(1, EMBED), Woffp, boffp,
      Wattn, battn.reshape(1, HLP), consts, smm)

    table = v_out.reshape(BS * HEADS * 2, NK * 16)
    idx_hbm = idx_out.reshape(BS * HEADS, NQ * 64)
    w_hbm = w_out.reshape(BS * HEADS, NQ * 64)

    sc_call = pl.kernel(
        _sc_gather,
        mesh=plsc.VectorSubcoreMesh(core_axis_name="c", subcore_axis_name="s"),
        out_type=jax.ShapeDtypeStruct((BS * HEADS * 2, NQ * 16), f32),
        scratch_types=[pltpu.VMEM((NK * 16,), f32),
                       pltpu.VMEM((CQ * 64,), jnp.int32),
                       pltpu.VMEM((CQ * 64,), f32),
                       pltpu.VMEM((CQ * 16,), f32)],
    )
    out_sc = sc_call(table, idx_hbm, w_hbm)

    sampled5 = out_sc.reshape(BS, HEADS, 2, NQ, 16)

    final = pl.pallas_call(
        _kernel_c_body,
        grid=(NBLK,),
        in_specs=[pl.BlockSpec((1, HEADS, 2, RBLK, 16),
                               lambda i: (i // (NQ // RBLK), 0, 0, i % (NQ // RBLK), 0)),
                  row_spec(EMBED),
                  full_spec(EMBED, EMBED), full_spec(1, EMBED)],
        out_specs=row_spec(EMBED),
        out_shape=jax.ShapeDtypeStruct((ROWS, EMBED), f32),
    )(sampled5, qflat, Wout, bout.reshape(1, EMBED))

    return final.reshape(BS, NQ, EMBED)

# --- scband reference (transcript-rebuilt; emitter-appended) ---
"""Pipeline reference for scband-msdeformable-attention-56504589746324 (READ-ONLY COPY).

The authoritative reference and input builder live on the scoring server;
editing this copy changes nothing except your own understanding.
"""

import jax, jax.numpy as jnp
import numpy as np

BS = 2
EMBED = 256
HEADS = 8
LEVELS = 4
POINTS = 4
SHAPES = np.array([[64, 64], [32, 32], [16, 16], [8, 8]], dtype=np.int64)
NK = int((SHAPES[:, 0] * SHAPES[:, 1]).sum())
NQ = NK


def grid_sample_bilinear(img, grid):
    # img: (N, C, Hi, Wi); grid: (N, Hg, Wg, 2) in [-1, 1]
    # matches torch F.grid_sample(mode='bilinear', padding_mode='zeros', align_corners=False)
    N, C, Hi, Wi = img.shape
    gx = grid[..., 0]
    gy = grid[..., 1]
    x = (gx + 1.0) * Wi / 2.0 - 0.5
    y = (gy + 1.0) * Hi / 2.0 - 0.5
    x0 = jnp.floor(x)
    y0 = jnp.floor(y)
    x1 = x0 + 1.0
    y1 = y0 + 1.0
    wx1 = x - x0
    wx0 = 1.0 - wx1
    wy1 = y - y0
    wy0 = 1.0 - wy1
    flat = img.reshape(N, C, Hi * Wi)

    def gather(xi, yi):
        valid = (xi >= 0) & (xi <= Wi - 1) & (yi >= 0) & (yi <= Hi - 1)
        xc = jnp.clip(xi, 0, Wi - 1).astype(jnp.int32)
        yc = jnp.clip(yi, 0, Hi - 1).astype(jnp.int32)
        idx = (yc * Wi + xc).reshape(N, -1)
        g = jnp.take_along_axis(flat, idx[:, None, :], axis=2)
        g = g.reshape(N, C, xi.shape[1], xi.shape[2])
        return g * valid[:, None, :, :].astype(img.dtype)

    out = (gather(x0, y0) * (wx0 * wy0)[:, None]
           + gather(x1, y0) * (wx1 * wy0)[:, None]
           + gather(x0, y1) * (wx0 * wy1)[:, None]
           + gather(x1, y1) * (wx1 * wy1)[:, None])
    return out


def _forward(query, value, reference_points, Wv, bv, Woff, boff, Wattn, battn, Wout, bout, shapes):
    bs, nq, D = query.shape
    d = D // HEADS
    v = value @ Wv + bv
    v = v.reshape(bs, -1, HEADS, d)
    off = (query @ Woff + boff).reshape(bs, nq, HEADS, LEVELS, POINTS, 2)
    aw = (query @ Wattn + battn).reshape(bs, nq, HEADS, LEVELS * POINTS)
    aw = jax.nn.softmax(aw, axis=-1).reshape(bs, nq, HEADS, LEVELS, POINTS)
    norm = jnp.stack([shapes[:, 1], shapes[:, 0]], axis=-1).astype(query.dtype)
    loc = reference_points[:, :, None, :, None, :] + off / norm[None, None, None, :, None, :]
    grids = 2.0 * loc - 1.0
    sizes = [int(h) * int(w) for h, w in SHAPES]
    starts = np.concatenate([[0], np.cumsum(sizes)])
    samples = []
    for l in range(LEVELS):
        Hl = int(SHAPES[l, 0])
        Wl = int(SHAPES[l, 1])
        v_l = v[:, int(starts[l]):int(starts[l + 1])]
        v_l = jnp.transpose(v_l, (0, 2, 3, 1)).reshape(bs * HEADS, d, Hl, Wl)
        g_l = jnp.transpose(grids[:, :, :, l], (0, 2, 1, 3, 4)).reshape(bs * HEADS, nq, POINTS, 2)
        samples.append(grid_sample_bilinear(v_l, g_l))
    sampled = jnp.stack(samples, axis=-2).reshape(bs * HEADS, d, nq, LEVELS * POINTS)
    aw2 = jnp.transpose(aw.reshape(bs, nq, HEADS, LEVELS * POINTS), (0, 2, 1, 3)).reshape(bs * HEADS, 1, nq, LEVELS * POINTS)
    out = (sampled * aw2).sum(-1).reshape(bs, HEADS * d, nq)
    out = jnp.transpose(out, (0, 2, 1))
    out = out @ Wout + bout
    return out + query


def setup_inputs(seed: int = 0) -> dict:
    key = jax.random.key(seed)
    ks = jax.random.split(key, 8)
    D = EMBED
    hlp = HEADS * LEVELS * POINTS
    return {
        "query": jax.random.normal(ks[0], (BS, NQ, D), jnp.float32),
        "value": jax.random.normal(ks[1], (BS, NK, D), jnp.float32),
        "reference_points": jax.random.uniform(ks[2], (BS, NQ, LEVELS, 2), jnp.float32),
        "spatial_shapes": jnp.asarray(SHAPES),
        "Wv": jax.random.normal(ks[3], (D, D), jnp.float32) * 0.02,
        "bv": jnp.zeros((D,), jnp.float32),
        "Woff": jax.random.normal(ks[4], (D, hlp * 2), jnp.float32) * 0.02,
        "boff": jnp.zeros((hlp * 2,), jnp.float32),
        "Wattn": jax.random.normal(ks[5], (D, hlp), jnp.float32) * 0.02,
        "battn": jnp.zeros((hlp,), jnp.float32),
        "Wout": jax.random.normal(ks[6], (D, D), jnp.float32) * 0.02,
        "bout": jnp.zeros((D,), jnp.float32),
    }


def reference(query, value, reference_points, spatial_shapes, Wv, bv, Woff, boff, Wattn, battn, Wout, bout):
    return _forward(query, value, reference_points, Wv, bv, Woff, boff, Wattn, battn, Wout, bout, spatial_shapes)

if __name__ == "__main__":
    import jax
    _d = setup_inputs()
    print(jax.jit(kernel)(*tuple(_d.values())))

</pallas_src>

<mosaic_0001>
#map = affine_map<(d0, d1) -> (0, 0)>
module attributes {stable_mosaic.version = 14 : i64} {
  func.func @_sc_gather(%arg0: i32, %arg1: i32, %arg2: memref<32x87040xf32, #tpu.memory_space<hbm>>, %arg3: memref<16x348160xi32, #tpu.memory_space<hbm>>, %arg4: memref<16x348160xf32, #tpu.memory_space<hbm>>, %arg5: memref<32x87040xf32, #tpu.memory_space<hbm>>, %arg6: memref<87040xf32, #tpu.memory_space<vmem>>, %arg7: memref<10240xi32, #tpu.memory_space<vmem>>, %arg8: memref<10240xf32, #tpu.memory_space<vmem>>, %arg9: memref<2560xf32, #tpu.memory_space<vmem>>) attributes {dimension_semantics = [#tpu.dimension_semantics<core_parallel>, #tpu.dimension_semantics<subcore_parallel>], iteration_bounds = array<i64: 2, 16>, scalar_prefetch = 0 : i64, scratch_operands = 4 : i64, tpu.core_type = #tpu.core_type<sc_vector_subcore>, window_params = [{transform_indices = #map}, {transform_indices = #map}, {transform_indices = #map}, {transform_indices = #map}]} {
    %mul3A = arith.constant 2 : i32
    %mul3A_0 = arith.muli %arg1, %mul3A : i32
    %add3A = arith.addi %mul3A_0, %arg0 : i32
    %jit3A = arith.constant 16 : i32
    %div3A = arith.divsi %add3A, %jit3A : i32
    %sign3A = arith.constant 0 : i32
    %sign3A_1 = arith.cmpi sgt, %add3A, %sign3A : i32
    %sign3A_2 = arith.extui %sign3A_1 : i1 to i32
    %sign3A_3 = arith.constant 0 : i32
    %sign3A_4 = arith.cmpi slt, %add3A, %sign3A_3 : i32
    %sign3A_5 = arith.extui %sign3A_4 : i1 to i32
    %sign3A_6 = arith.subi %sign3A_2, %sign3A_5 : i32
    %sign3A_7 = arith.constant 0 : i32
    %sign3A_8 = arith.cmpi sgt, %jit3A, %sign3A_7 : i32
    %sign3A_9 = arith.extui %sign3A_8 : i1 to i32
    %sign3A_10 = arith.constant 0 : i32
    %sign3A_11 = arith.cmpi slt, %jit3A, %sign3A_10 : i32
    %sign3A_12 = arith.extui %sign3A_11 : i1 to i32
    %sign3A_13 = arith.subi %sign3A_9, %sign3A_12 : i32
    %ne3A = arith.cmpi ne, %sign3A_6, %sign3A_13 : i32
    %rem3A = arith.remsi %add3A, %jit3A : i32
    %ne3A_14 = arith.constant 0 : i32
    %ne3A_15 = arith.cmpi ne, %rem3A, %ne3A_14 : i32
    %and3A = arith.andi %ne3A, %ne3A_15 : i1
    %sub3A = arith.constant 1 : i32
    %sub3A_16 = arith.subi %div3A, %sub3A : i32
    %select_n3A = arith.select %and3A, %sub3A_16, %div3A : i32
    %mul3A_17 = arith.constant 16 : i32
    %mul3A_18 = arith.muli %select_n3A, %mul3A_17 : i32
    %sub3A_19 = arith.subi %add3A, %mul3A_18 : i32
    %jit3A_20 = arith.constant 2 : i32
    %div3A_21 = arith.divsi %sub3A_19, %jit3A_20 : i32
    %sign3A_22 = arith.constant 0 : i32
    %sign3A_23 = arith.cmpi sgt, %sub3A_19, %sign3A_22 : i32
    %sign3A_24 = arith.extui %sign3A_23 : i1 to i32
    %sign3A_25 = arith.constant 0 : i32
    %sign3A_26 = arith.cmpi slt, %sub3A_19, %sign3A_25 : i32
    %sign3A_27 = arith.extui %sign3A_26 : i1 to i32
    %sign3A_28 = arith.subi %sign3A_24, %sign3A_27 : i32
    %sign3A_29 = arith.constant 0 : i32
    %sign3A_30 = arith.cmpi sgt, %jit3A_20, %sign3A_29 : i32
    %sign3A_31 = arith.extui %sign3A_30 : i1 to i32
    %sign3A_32 = arith.constant 0 : i32
    %sign3A_33 = arith.cmpi slt, %jit3A_20, %sign3A_32 : i32
    %sign3A_34 = arith.extui %sign3A_33 : i1 to i32
    %sign3A_35 = arith.subi %sign3A_31, %sign3A_34 : i32
    %ne3A_36 = arith.cmpi ne, %sign3A_28, %sign3A_35 : i32
    %rem3A_37 = arith.remsi %sub3A_19, %jit3A_20 : i32
    %ne3A_38 = arith.constant 0 : i32
    %ne3A_39 = arith.cmpi ne, %rem3A_37, %ne3A_38 : i32
    %and3A_40 = arith.andi %ne3A_36, %ne3A_39 : i1
    %sub3A_41 = arith.constant 1 : i32
    %sub3A_42 = arith.subi %div3A_21, %sub3A_41 : i32
    %select_n3A_43 = arith.select %and3A_40, %sub3A_42, %div3A_21 : i32
    %mul3A_44 = arith.constant 2 : i32
    %mul3A_45 = arith.muli %select_n3A_43, %mul3A_44 : i32
    %sub3A_46 = arith.subi %sub3A_19, %mul3A_45 : i32
    %mul3A_47 = arith.constant 8 : i32
    %mul3A_48 = arith.muli %select_n3A, %mul3A_47 : i32
    %add3A_49 = arith.addi %mul3A_48, %select_n3A_43 : i32
    %mul3A_50 = arith.constant 2 : i32
    %mul3A_51 = arith.muli %add3A_49, %mul3A_50 : i32
    %add3A_52 = arith.addi %mul3A_51, %sub3A_46 : i32
    "tpu.region"() ({
      %run_scoped3A = tpu.sem_alloc : memref<!tpu.dma_semaphore, #tpu.memory_space<semaphore_mem>>
      %dma_start3A = arith.constant 0 : i32
      %dma_start3A_58 = tpu.memref_slice %arg2[%add3A_52, %dma_start3A] : memref<32x87040xf32, #tpu.memory_space<hbm>> -> memref<1x87040xf32, #tpu.memory_space<hbm>>
      %dma_start3A_59 = tpu.memref_squeeze %dma_start3A_58 : memref<1x87040xf32, #tpu.memory_space<hbm>> -> memref<87040xf32, #tpu.memory_space<hbm>>
      %dma_start3A_60 = arith.constant 0 : i32
      %dma_start3A_61 = tpu.memref_slice %arg2[%add3A_52, %dma_start3A_60] : memref<32x87040xf32, #tpu.memory_space<hbm>> -> memref<1x87040xf32, #tpu.memory_space<hbm>>
      %dma_start3A_62 = tpu.memref_squeeze %dma_start3A_61 : memref<1x87040xf32, #tpu.memory_space<hbm>> -> memref<87040xf32, #tpu.memory_space<hbm>>
      tpu.enqueue_dma source(%dma_start3A_62 : memref<87040xf32, #tpu.memory_space<hbm>>) target(%arg6 : memref<87040xf32, #tpu.memory_space<vmem>>) target_semaphore(%run_scoped3A : memref<!tpu.dma_semaphore, #tpu.memory_space<semaphore_mem>>)
      %dma_wait3A = arith.constant 0 : i32
      %dma_wait3A_63 = tpu.memref_slice %arg2[%add3A_52, %dma_wait3A] : memref<32x87040xf32, #tpu.memory_space<hbm>> -> memref<1x87040xf32, #tpu.memory_space<hbm>>
      %dma_wait3A_64 = tpu.memref_squeeze %dma_wait3A_63 : memref<1x87040xf32, #tpu.memory_space<hbm>> -> memref<87040xf32, #tpu.memory_space<hbm>>
      %dma_wait3A_65 = arith.constant 0 : i32
      %dma_wait3A_66 = tpu.memref_slice %arg2[%add3A_52, %dma_wait3A_65] : memref<32x87040xf32, #tpu.memory_space<hbm>> -> memref<1x87040xf32, #tpu.memory_space<hbm>>
      %dma_wait3A_67 = tpu.memref_squeeze %dma_wait3A_66 : memref<1x87040xf32, #tpu.memory_space<hbm>> -> memref<87040xf32, #tpu.memory_space<hbm>>
      tpu.wait_dma2 semaphore(%run_scoped3A : memref<!tpu.dma_semaphore, #tpu.memory_space<semaphore_mem>>) src(%dma_wait3A_67 : memref<87040xf32, #tpu.memory_space<hbm>>) dst(%arg6 : memref<87040xf32, #tpu.memory_space<vmem>>)
      tpu.yield
    }) : () -> ()
    %scan3A = arith.constant 0 : i32
    %scan3A_53 = arith.constant 0 : i32
    %scan3A_54 = arith.constant 34 : i32
    %scan3A_55 = arith.addi %scan3A_53, %scan3A_54 : i32
    %scan3A_56 = arith.constant 1 : i32
    scf.for %scan3A_58 = %scan3A_53 to %scan3A_55 step %scan3A_56  : i32 {
      %mul3A_59 = arith.constant 10240 : i32
      %mul3A_60 = arith.muli %scan3A_58, %mul3A_59 : i32
      "tpu.region"() ({
        %run_scoped3A = tpu.sem_alloc : memref<!tpu.dma_semaphore, #tpu.memory_space<semaphore_mem>>
        %dma_start3A = tpu.memref_slice %arg3[%add3A_49, %mul3A_60] : memref<16x348160xi32, #tpu.memory_space<hbm>> -> memref<1x10240xi32, #tpu.memory_space<hbm>>
        %dma_start3A_69 = tpu.memref_squeeze %dma_start3A : memref<1x10240xi32, #tpu.memory_space<hbm>> -> memref<10240xi32, #tpu.memory_space<hbm>>
        %dma_start3A_70 = tpu.memref_slice %arg3[%add3A_49, %mul3A_60] : memref<16x348160xi32, #tpu.memory_space<hbm>> -> memref<1x10240xi32, #tpu.memory_space<hbm>>
        %dma_start3A_71 = tpu.memref_squeeze %dma_start3A_70 : memref<1x10240xi32, #tpu.memory_space<hbm>> -> memref<10240xi32, #tpu.memory_space<hbm>>
        tpu.enqueue_dma source(%dma_start3A_71 : memref<10240xi32, #tpu.memory_space<hbm>>) target(%arg7 : memref<10240xi32, #tpu.memory_space<vmem>>) target_semaphore(%run_scoped3A : memref<!tpu.dma_semaphore, #tpu.memory_space<semaphore_mem>>)
        %dma_wait3A = tpu.memref_slice %arg3[%add3A_49, %mul3A_60] : memref<16x348160xi32, #tpu.memory_space<hbm>> -> memref<1x10240xi32, #tpu.memory_space<hbm>>
        %dma_wait3A_72 = tpu.memref_squeeze %dma_wait3A : memref<1x10240xi32, #tpu.memory_space<hbm>> -> memref<10240xi32, #tpu.memory_space<hbm>>
        %dma_wait3A_73 = tpu.memref_slice %arg3[%add3A_49, %mul3A_60] : memref<16x348160xi32, #tpu.memory_space<hbm>> -> memref<1x10240xi32, #tpu.memory_space<hbm>>
        %dma_wait3A_74 = tpu.memref_squeeze %dma_wait3A_73 : memref<1x10240xi32, #tpu.memory_space<hbm>> -> memref<10240xi32, #tpu.memory_space<hbm>>
        tpu.wait_dma2 semaphore(%run_scoped3A : memref<!tpu.dma_semaphore, #tpu.memory_space<semaphore_mem>>) src(%dma_wait3A_74 : memref<10240xi32, #tpu.memory_space<hbm>>) dst(%arg7 : memref<10240xi32, #tpu.memory_space<vmem>>)
        tpu.yield
      }) : () -> ()
      "tpu.region"() ({
        %run_scoped3A = tpu.sem_alloc : memref<!tpu.dma_semaphore, #tpu.memory_space<semaphore_mem>>
        %dma_start3A = tpu.memref_slice %arg4[%add3A_49, %mul3A_60] : memref<16x348160xf32, #tpu.memory_space<hbm>> -> memref<1x10240xf32, #tpu.memory_space<hbm>>
        %dma_start3A_69 = tpu.memref_squeeze %dma_start3A : memref<1x10240xf32, #tpu.memory_space<hbm>> -> memref<10240xf32, #tpu.memory_space<hbm>>
        %dma_start3A_70 = tpu.memref_slice %arg4[%add3A_49, %mul3A_60] : memref<16x348160xf32, #tpu.memory_space<hbm>> -> memref<1x10240xf32, #tpu.memory_space<hbm>>
        %dma_start3A_71 = tpu.memref_squeeze %dma_start3A_70 : memref<1x10240xf32, #tpu.memory_space<hbm>> -> memref<10240xf32, #tpu.memory_space<hbm>>
        tpu.enqueue_dma source(%dma_start3A_71 : memref<10240xf32, #tpu.memory_space<hbm>>) target(%arg8 : memref<10240xf32, #tpu.memory_space<vmem>>) target_semaphore(%run_scoped3A : memref<!tpu.dma_semaphore, #tpu.memory_space<semaphore_mem>>)
        %dma_wait3A = tpu.memref_slice %arg4[%add3A_49, %mul3A_60] : memref<16x348160xf32, #tpu.memory_space<hbm>> -> memref<1x10240xf32, #tpu.memory_space<hbm>>
        %dma_wait3A_72 = tpu.memref_squeeze %dma_wait3A : memref<1x10240xf32, #tpu.memory_space<hbm>> -> memref<10240xf32, #tpu.memory_space<hbm>>
        %dma_wait3A_73 = tpu.memref_slice %arg4[%add3A_49, %mul3A_60] : memref<16x348160xf32, #tpu.memory_space<hbm>> -> memref<1x10240xf32, #tpu.memory_space<hbm>>
        %dma_wait3A_74 = tpu.memref_squeeze %dma_wait3A_73 : memref<1x10240xf32, #tpu.memory_space<hbm>> -> memref<10240xf32, #tpu.memory_space<hbm>>
        tpu.wait_dma2 semaphore(%run_scoped3A : memref<!tpu.dma_semaphore, #tpu.memory_space<semaphore_mem>>) src(%dma_wait3A_74 : memref<10240xf32, #tpu.memory_space<hbm>>) dst(%arg8 : memref<10240xf32, #tpu.memory_space<vmem>>)
        tpu.yield
      }) : () -> ()
      %scan3A_61 = arith.constant 0 : i32
      %scan3A_62 = arith.constant 0 : i32
      %scan3A_63 = arith.constant 160 : i32
      %scan3A_64 = arith.addi %scan3A_62, %scan3A_63 : i32
      %scan3A_65 = arith.constant 1 : i32
      scf.for %scan3A_69 = %scan3A_62 to %scan3A_64 step %scan3A_65  : i32 {
        %broadcast_in_dim3A = arith.constant 0.000000e+00 : f32
        %broadcast_in_dim3A_70 = vector.broadcast %broadcast_in_dim3A : f32 to vector<16xf32>
        %broadcast_in_dim3A_71 = arith.constant 0.000000e+00 : f32
        %broadcast_in_dim3A_72 = vector.broadcast %broadcast_in_dim3A_71 : f32 to vector<16xf32>
        %broadcast_in_dim3A_73 = arith.constant 0.000000e+00 : f32
        %broadcast_in_dim3A_74 = vector.broadcast %broadcast_in_dim3A_73 : f32 to vector<16xf32>
        %broadcast_in_dim3A_75 = arith.constant 0.000000e+00 : f32
        %broadcast_in_dim3A_76 = vector.broadcast %broadcast_in_dim3A_75 : f32 to vector<16xf32>
        %mul3A_77 = arith.constant 64 : i32
        %mul3A_78 = arith.muli %scan3A_69, %mul3A_77 : i32
        %add3A_79 = arith.constant 0 : i32
        %add3A_80 = arith.addi %mul3A_78, %add3A_79 : i32
        %get3A = arith.index_cast %add3A_80 : i32 to index
        %get3A_81 = tpu.vector_load %arg7[%get3A] {strides = array<i32>} : memref<10240xi32, #tpu.memory_space<vmem>>, vector<16xi32>,
        %get3A_82 = vector.shape_cast %get3A_81 : vector<16xi32> to vector<16xi32>
        %add3A_83 = arith.constant 0 : i32
        %add3A_84 = arith.addi %mul3A_78, %add3A_83 : i32
        %get3A_85 = arith.index_cast %add3A_84 : i32 to index
        %get3A_86 = tpu.vector_load %arg8[%get3A_85] {strides = array<i32>} : memref<10240xf32, #tpu.memory_space<vmem>>, vector<16xf32>,
        %get3A_87 = vector.shape_cast %get3A_86 : vector<16xf32> to vector<16xf32>
        %slice3A = vector.extract_strided_slice %get3A_82 {offsets = [0], sizes = [1], strides = [1]} : vector<16xi32> to vector<1xi32>
        %squeeze3A = vector.extract %slice3A[0] : i32 from vector<1xi32>
        %slice3A_88 = vector.extract_strided_slice %get3A_87 {offsets = [0], sizes = [1], strides = [1]} : vector<16xf32> to vector<1xf32>
        %squeeze3A_89 = vector.extract %slice3A_88[0] : f32 from vector<1xf32>
        %get3A_90 = arith.index_cast %squeeze3A : i32 to index
        %get3A_91 = tpu.vector_load %arg6[%get3A_90] {strides = array<i32>} : memref<87040xf32, #tpu.memory_space<vmem>>, vector<16xf32>,
        %get3A_92 = vector.shape_cast %get3A_91 : vector<16xf32> to vector<16xf32>
        %mul3A_93 = vector.broadcast %squeeze3A_89 : f32 to vector<16xf32>
        %mul3A_94 = arith.mulf %mul3A_93, %get3A_92 : vector<16xf32>
        %add3A_95 = arith.addf %broadcast_in_dim3A_70, %mul3A_94 : vector<16xf32>
        %slice3A_96 = vector.extract_strided_slice %get3A_82 {offsets = [1], sizes = [1], strides = [1]} : vector<16xi32> to vector<1xi32>
        %squeeze3A_97 = vector.extract %slice3A_96[0] : i32 from vector<1xi32>
        %slice3A_98 = vector.extract_strided_slice %get3A_87 {offsets = [1], sizes = [1], strides = [1]} : vector<16xf32> to vector<1xf32>
        %squeeze3A_99 = vector.extract %slice3A_98[0] : f32 from vector<1xf32>
        %get3A_100 = arith.index_cast %squeeze3A_97 : i32 to index
        %get3A_101 = tpu.vector_load %arg6[%get3A_100] {strides = array<i32>} : memref<87040xf32, #tpu.memory_space<vmem>>, vector<16xf32>,
        %get3A_102 = vector.shape_cast %get3A_101 : vector<16xf32> to vector<16xf32>
        %mul3A_103 = vector.broadcast %squeeze3A_99 : f32 to vector<16xf32>
        %mul3A_104 = arith.mulf %mul3A_103, %get3A_102 : vector<16xf32>
        %add3A_105 = arith.addf %broadcast_in_dim3A_72, %mul3A_104 : vector<16xf32>
        %slice3A_106 = vector.extract_strided_slice %get3A_82 {offsets = [2], sizes = [1], strides = [1]} : vector<16xi32> to vector<1xi32>
        %squeeze3A_107 = vector.extract %slice3A_106[0] : i32 from vector<1xi32>
        %slice3A_108 = vector.extract_strided_slice %get3A_87 {offsets = [2], sizes = [1], strides = [1]} : vector<16xf32> to vector<1xf32>
        %squeeze3A_109 = vector.extract %slice3A_108[0] : f32 from vector<1xf32>
        %get3A_110 = arith.index_cast %squeeze3A_107 : i32 to index
        %get3A_111 = tpu.vector_load %arg6[%get3A_110] {strides = array<i32>} : memref<87040xf32, #tpu.memory_space<vmem>>, vector<16xf32>,
        %get3A_112 = vector.shape_cast %get3A_111 : vector<16xf32> to vector<16xf32>
        %mul3A_113 = vector.broadcast %squeeze3A_109 : f32 to vector<16xf32>
        %mul3A_114 = arith.mulf %mul3A_113, %get3A_112 : vector<16xf32>
        %add3A_115 = arith.addf %broadcast_in_dim3A_74, %mul3A_114 : vector<16xf32>
        %slice3A_116 = vector.extract_strided_slice %get3A_82 {offsets = [3], sizes = [1], strides = [1]} : vector<16xi32> to vector<1xi32>
        %squeeze3A_117 = vector.extract %slice3A_116[0] : i32 from vector<1xi32>
        %slice3A_118 = vector.extract_strided_slice %get3A_87 {offsets = [3], sizes = [1], strides = [1]} : vector<16xf32> to vector<1xf32>
        %squeeze3A_119 = vector.extract %slice3A_118[0] : f32 from vector<1xf32>
        %get3A_120 = arith.index_cast %squeeze3A_117 : i32 to index
        %get3A_121 = tpu.vector_load %arg6[%get3A_120] {strides = array<i32>} : memref<87040xf32, #tpu.memory_space<vmem>>, vector<16xf32>,
        %get3A_122 = vector.shape_cast %get3A_121 : vector<16xf32> to vector<16xf32>
        %mul3A_123 = vector.broadcast %squeeze3A_119 : f32 to vector<16xf32>
        %mul3A_124 = arith.mulf %mul3A_123, %get3A_122 : vector<16xf32>
        %add3A_125 = arith.addf %broadcast_in_dim3A_76, %mul3A_124 : vector<16xf32>
        %slice3A_126 = vector.extract_strided_slice %get3A_82 {offsets = [4], sizes = [1], strides = [1]} : vector<16xi32> to vector<1xi32>
        %squeeze3A_127 = vector.extract %slice3A_126[0] : i32 from vector<1xi32>
        %slice3A_128 = vector.extract_strided_slice %get3A_87 {offsets = [4], sizes = [1], strides = [1]} : vector<16xf32> to vector<1xf32>
        %squeeze3A_129 = vector.extract %slice3A_128[0] : f32 from vector<1xf32>
        %get3A_130 = arith.index_cast %squeeze3A_127 : i32 to index
        %get3A_131 = tpu.vector_load %arg6[%get3A_130] {strides = array<i32>} : memref<87040xf32, #tpu.memory_space<vmem>>, vector<16xf32>,
        %get3A_132 = vector.shape_cast %get3A_131 : vector<16xf32> to vector<16xf32>
        %mul3A_133 = vector.broadcast %squeeze3A_129 : f32 to vector<16xf32>
        %mul3A_134 = arith.mulf %mul3A_133, %get3A_132 : vector<16xf32>
        %add3A_135 = arith.addf %add3A_95, %mul3A_134 : vector<16xf32>
        %slice3A_136 = vector.extract_strided_slice %get3A_82 {offsets = [5], sizes = [1], strides = [1]} : vector<16xi32> to vector<1xi32>
        %squeeze3A_137 = vector.extract %slice3A_136[0] : i32 from vector<1xi32>
        %slice3A_138 = vector.extract_strided_slice %get3A_87 {offsets = [5], sizes = [1], strides = [1]} : vector<16xf32> to vector<1xf32>
        %squeeze3A_139 = vector.extract %slice3A_138[0] : f32 from vector<1xf32>
        %get3A_140 = arith.index_cast %squeeze3A_137 : i32 to index
        %get3A_141 = tpu.vector_load %arg6[%get3A_140] {strides = array<i32>} : memref<87040xf32, #tpu.memory_space<vmem>>, vector<16xf32>,
        %get3A_142 = vector.shape_cast %get3A_141 : vector<16xf32> to vector<16xf32>
        %mul3A_143 = vector.broadcast %squeeze3A_139 : f32 to vector<16xf32>
        %mul3A_144 = arith.mulf %mul3A_143, %get3A_142 : vector<16xf32>
        %add3A_145 = arith.addf %add3A_105, %mul3A_144 : vector<16xf32>
        %slice3A_146 = vector.extract_strided_slice %get3A_82 {offsets = [6], sizes = [1], strides = [1]} : vector<16xi32> to vector<1xi32>
        %squeeze3A_147 = vector.extract %slice3A_146[0] : i32 from vector<1xi32>
        %slice3A_148 = vector.extract_strided_slice %get3A_87 {offsets = [6], sizes = [1], strides = [1]} : vector<16xf32> to vector<1xf32>
        %squeeze3A_149 = vector.extract %slice3A_148[0] : f32 from vector<1xf32>
        %get3A_150 = arith.index_cast %squeeze3A_147 : i32 to index
        %get3A_151 = tpu.vector_load %arg6[%get3A_150] {strides = array<i32>} : memref<87040xf32, #tpu.memory_space<vmem>>, vector<16xf32>,
        %get3A_152 = vector.shape_cast %get3A_151 : vector<16xf32> to vector<16xf32>
        %mul3A_153 = vector.broadcast %squeeze3A_149 : f32 to vector<16xf32>
        %mul3A_154 = arith.mulf %mul3A_153, %get3A_152 : vector<16xf32>
        %add3A_155 = arith.addf %add3A_115, %mul3A_154 : vector<16xf32>
        %slice3A_156 = vector.extract_strided_slice %get3A_82 {offsets = [7], sizes = [1], strides = [1]} : vector<16xi32> to vector<1xi32>
        %squeeze3A_157 = vector.extract %slice3A_156[0] : i32 from vector<1xi32>
        %slice3A_158 = vector.extract_strided_slice %get3A_87 {offsets = [7], sizes = [1], strides = [1]} : vector<16xf32> to vector<1xf32>
        %squeeze3A_159 = vector.extract %slice3A_158[0] : f32 from vector<1xf32>
        %get3A_160 = arith.index_cast %squeeze3A_157 : i32 to index
        %get3A_161 = tpu.vector_load %arg6[%get3A_160] {strides = array<i32>} : memref<87040xf32, #tpu.memory_space<vmem>>, vector<16xf32>,
        %get3A_162 = vector.shape_cast %get3A_161 : vector<16xf32> to vector<16xf32>
        %mul3A_163 = vector.broadcast %squeeze3A_159 : f32 to vector<16xf32>
        %mul3A_164 = arith.mulf %mul3A_163, %get3A_162 : vector<16xf32>
        %add3A_165 = arith.addf %add3A_125, %mul3A_164 : vector<16xf32>
        %slice3A_166 = vector.extract_strided_slice %get3A_82 {offsets = [8], sizes = [1], strides = [1]} : vector<16xi32> to vector<1xi32>
        %squeeze3A_167 = vector.extract %slice3A_166[0] : i32 from vector<1xi32>
        %slice3A_168 = vector.extract_strided_slice %get3A_87 {offsets = [8], sizes = [1], strides = [1]} : vector<16xf32> to vector<1xf32>
        %squeeze3A_169 = vector.extract %slice3A_168[0] : f32 from vector<1xf32>
        %get3A_170 = arith.index_cast %squeeze3A_167 : i32 to index
        %get3A_171 = tpu.vector_load %arg6[%get3A_170] {strides = array<i32>} : memref<87040xf32, #tpu.memory_space<vmem>>, vector<16xf32>,
        %get3A_172 = vector.shape_cast %get3A_171 : vector<16xf32> to vector<16xf32>
        %mul3A_173 = vector.broadcast %squeeze3A_169 : f32 to vector<16xf32>
        %mul3A_174 = arith.mulf %mul3A_173, %get3A_172 : vector<16xf32>
        %add3A_175 = arith.addf %add3A_135, %mul3A_174 : vector<16xf32>
        %slice3A_176 = vector.extract_strided_slice %get3A_82 {offsets = [9], sizes = [1], strides = [1]} : vector<16xi32> to vector<1xi32>
        %squeeze3A_177 = vector.extract %slice3A_176[0] : i32 from vector<1xi32>
        %slice3A_178 = vector.extract_strided_slice %get3A_87 {offsets = [9], sizes = [1], strides = [1]} : vector<16xf32> to vector<1xf32>
        %squeeze3A_179 = vector.extract %slice3A_178[0] : f32 from vector<1xf32>
        %get3A_180 = arith.index_cast %squeeze3A_177 : i32 to index
        %get3A_181 = tpu.vector_load %arg6[%get3A_180] {strides = array<i32>} : memref<87040xf32, #tpu.memory_space<vmem>>, vector<16xf32>,
        %get3A_182 = vector.shape_cast %get3A_181 : vector<16xf32> to vector<16xf32>
        %mul3A_183 = vector.broadcast %squeeze3A_179 : f32 to vector<16xf32>
        %mul3A_184 = arith.mulf %mul3A_183, %get3A_182 : vector<16xf32>
        %add3A_185 = arith.addf %add3A_145, %mul3A_184 : vector<16xf32>
        %slice3A_186 = vector.extract_strided_slice %get3A_82 {offsets = [10], sizes = [1], strides = [1]} : vector<16xi32> to vector<1xi32>
        %squeeze3A_187 = vector.extract %slice3A_186[0] : i32 from vector<1xi32>
        %slice3A_188 = vector.extract_strided_slice %get3A_87 {offsets = [10], sizes = [1], strides = [1]} : vector<16xf32> to vector<1xf32>
        %squeeze3A_189 = vector.extract %slice3A_188[0] : f32 from vector<1xf32>
        %get3A_190 = arith.index_cast %squeeze3A_187 : i32 to index
        %get3A_191 = tpu.vector_load %arg6[%get3A_190] {strides = array<i32>} : memref<87040xf32, #tpu.memory_space<vmem>>, vector<16xf32>,
        %get3A_192 = vector.shape_cast %get3A_191 : vector<16xf32> to vector<16xf32>
        %mul3A_193 = vector.broadcast %squeeze3A_189 : f32 to vector<16xf32>
        %mul3A_194 = arith.mulf %mul3A_193, %get3A_192 : vector<16xf32>
        %add3A_195 = arith.addf %add3A_155, %mul3A_194 : vector<16xf32>
        %slice3A_196 = vector.extract_strided_slice %get3A_82 {offsets = [11], sizes = [1], strides = [1]} : vector<16xi32> to vector<1xi32>
        %squeeze3A_197 = vector.extract %slice3A_196[0] : i32 from vector<1xi32>
        %slice3A_198 = vector.extract_strided_slice %get3A_87 {offsets = [11], sizes = [1], strides = [1]} : vector<16xf32> to vector<1xf32>
        %squeeze3A_199 = vector.extract %slice3A_198[0] : f32 from vector<1xf32>
        %get3A_200 = arith.index_cast %squeeze3A_197 : i32 to index
        %get3A_201 = tpu.vector_load %arg6[%get3A_200] {strides = array<i32>} : memref<87040xf32, #tpu.memory_space<vmem>>, vector<16xf32>,
        %get3A_202 = vector.shape_cast %get3A_201 : vector<16xf32> to vector<16xf32>
        %mul3A_203 = vector.broadcast %squeeze3A_199 : f32 to vector<16xf32>
        %mul3A_204 = arith.mulf %mul3A_203, %get3A_202 : vector<16xf32>
        %add3A_205 = arith.addf %add3A_165, %mul3A_204 : vector<16xf32>
        %slice3A_206 = vector.extract_strided_slice %get3A_82 {offsets = [12], sizes = [1], strides = [1]} : vector<16xi32> to vector<1xi32>
        %squeeze3A_207 = vector.extract %slice3A_206[0] : i32 from vector<1xi32>
        %slice3A_208 = vector.extract_strided_slice %get3A_87 {offsets = [12], sizes = [1], strides = [1]} : vector<16xf32> to vector<1xf32>
        %squeeze3A_209 = vector.extract %slice3A_208[0] : f32 from vector<1xf32>
        %get3A_210 = arith.index_cast %squeeze3A_207 : i32 to index
        %get3A_211 = tpu.vector_load %arg6[%get3A_210] {strides = array<i32>} : memref<87040xf32, #tpu.memory_space<vmem>>, vector<16xf32>,
        %get3A_212 = vector.shape_cast %get3A_211 : vector<16xf32> to vector<16xf32>
        %mul3A_213 = vector.broadcast %squeeze3A_209 : f32 to vector<16xf32>
        %mul3A_214 = arith.mulf %mul3A_213, %get3A_212 : vector<16xf32>
        %add3A_215 = arith.addf %add3A_175, %mul3A_214 : vector<16xf32>
        %slice3A_216 = vector.extract_strided_slice %get3A_82 {offsets = [13], sizes = [1], strides = [1]} : vector<16xi32> to vector<1xi32>
        %squeeze3A_217 = vector.extract %slice3A_216[0] : i32 from vector<1xi32>
        %slice3A_218 = vector.extract_strided_slice %get3A_87 {offsets = [13], sizes = [1], strides = [1]} : vector<16xf32> to vector<1xf32>
        %squeeze3A_219 = vector.extract %slice3A_218[0] : f32 from vector<1xf32>
        %get3A_220 = arith.index_cast %squeeze3A_217 : i32 to index
        %get3A_221 = tpu.vector_load %arg6[%get3A_220] {strides = array<i32>} : memref<87040xf32, #tpu.memory_space<vmem>>, vector<16xf32>,
        %get3A_222 = vector.shape_cast %get3A_221 : vector<16xf32> to vector<16xf32>
        %mul3A_223 = vector.broadcast %squeeze3A_219 : f32 to vector<16xf32>
        %mul3A_224 = arith.mulf %mul3A_223, %get3A_222 : vector<16xf32>
        %add3A_225 = arith.addf %add3A_185, %mul3A_224 : vector<16xf32>
        %slice3A_226 = vector.extract_strided_slice %get3A_82 {offsets = [14], sizes = [1], strides = [1]} : vector<16xi32> to vector<1xi32>
        %squeeze3A_227 = vector.extract %slice3A_226[0] : i32 from vector<1xi32>
        %slice3A_228 = vector.extract_strided_slice %get3A_87 {offsets = [14], sizes = [1], strides = [1]} : vector<16xf32> to vector<1xf32>
        %squeeze3A_229 = vector.extract %slice3A_228[0] : f32 from vector<1xf32>
        %get3A_230 = arith.index_cast %squeeze3A_227 : i32 to index
        %get3A_231 = tpu.vector_load %arg6[%get3A_230] {strides = array<i32>} : memref<87040xf32, #tpu.memory_space<vmem>>, vector<16xf32>,
        %get3A_232 = vector.shape_cast %get3A_231 : vector<16xf32> to vector<16xf32>
        %mul3A_233 = vector.broadcast %squeeze3A_229 : f32 to vector<16xf32>
        %mul3A_234 = arith.mulf %mul3A_233, %get3A_232 : vector<16xf32>
        %add3A_235 = arith.addf %add3A_195, %mul3A_234 : vector<16xf32>
        %slice3A_236 = vector.extract_strided_slice %get3A_82 {offsets = [15], sizes = [1], strides = [1]} : vector<16xi32> to vector<1xi32>
        %squeeze3A_237 = vector.extract %slice3A_236[0] : i32 from vector<1xi32>
        %slice3A_238 = vector.extract_strided_slice %get3A_87 {offsets = [15], sizes = [1], strides = [1]} : vector<16xf32> to vector<1xf32>
        %squeeze3A_239 = vector.extract %slice3A_238[0] : f32 from vector<1xf32>
        %get3A_240 = arith.index_cast %squeeze3A_237 : i32 to index
        %get3A_241 = tpu.vector_load %arg6[%get3A_240] {strides = array<i32>} : memref<87040xf32, #tpu.memory_space<vmem>>, vector<16xf32>,
        %get3A_242 = vector.shape_cast %get3A_241 : vector<16xf32> to vector<16xf32>
        %mul3A_243 = vector.broadcast %squeeze3A_239 : f32 to vector<16xf32>
        %mul3A_244 = arith.mulf %mul3A_243, %get3A_242 : vector<16xf32>
        %add3A_245 = arith.addf %add3A_205, %mul3A_244 : vector<16xf32>
        %add3A_246 = arith.constant 16 : i32
        %add3A_247 = arith.addi %mul3A_78, %add3A_246 : i32
        %get3A_248 = arith.index_cast %add3A_247 : i32 to index
        %get3A_249 = tpu.vector_load %arg7[%get3A_248] {strides = array<i32>} : memref<10240xi32, #tpu.memory_space<vmem>>, vector<16xi32>,
        %get3A_250 = vector.shape_cast %get3A_249 : vector<16xi32> to vector<16xi32>
        %add3A_251 = arith.constant 16 : i32
        %add3A_252 = arith.addi %mul3A_78, %add3A_251 : i32
        %get3A_253 = arith.index_cast %add3A_252 : i32 to index
        %get3A_254 = tpu.vector_load %arg8[%get3A_253] {strides = array<i32>} : memref<10240xf32, #tpu.memory_space<vmem>>, vector<16xf32>,
        %get3A_255 = vector.shape_cast %get3A_254 : vector<16xf32> to vector<16xf32>
        %slice3A_256 = vector.extract_strided_slice %get3A_250 {offsets = [0], sizes = [1], strides = [1]} : vector<16xi32> to vector<1xi32>
        %squeeze3A_257 = vector.extract %slice3A_256[0] : i32 from vector<1xi32>
        %slice3A_258 = vector.extract_strided_slice %get3A_255 {offsets = [0], sizes = [1], strides = [1]} : vector<16xf32> to vector<1xf32>
        %squeeze3A_259 = vector.extract %slice3A_258[0] : f32 from vector<1xf32>
        %get3A_260 = arith.index_cast %squeeze3A_257 : i32 to index
        %get3A_261 = tpu.vector_load %arg6[%get3A_260] {strides = array<i32>} : memref<87040xf32, #tpu.memory_space<vmem>>, vector<16xf32>,
        %get3A_262 = vector.shape_cast %get3A_261 : vector<16xf32> to vector<16xf32>
        %mul3A_263 = vector.broadcast %squeeze3A_259 : f32 to vector<16xf32>
        %mul3A_264 = arith.mulf %mul3A_263, %get3A_262 : vector<16xf32>
        %add3A_265 = arith.addf %add3A_215, %mul3A_264 : vector<16xf32>
        %slice3A_266 = vector.extract_strided_slice %get3A_250 {offsets = [1], sizes = [1], strides = [1]} : vector<16xi32> to vector<1xi32>
        %squeeze3A_267 = vector.extract %slice3A_266[0] : i32 from vector<1xi32>
        %slice3A_268 = vector.extract_strided_slice %get3A_255 {offsets = [1], sizes = [1], strides = [1]} : vector<16xf32> to vector<1xf32>
        %squeeze3A_269 = vector.extract %slice3A_268[0] : f32 from vector<1xf32>
        %get3A_270 = arith.index_cast %squeeze3A_267 : i32 to index
        %get3A_271 = tpu.vector_load %arg6[%get3A_270] {strides = array<i32>} : memref<87040xf32, #tpu.memory_space<vmem>>, vector<16xf32>,
        %get3A_272 = vector.shape_cast %get3A_271 : vector<16xf32> to vector<16xf32>
        %mul3A_273 = vector.broadcast %squeeze3A_269 : f32 to vector<16xf32>
        %mul3A_274 = arith.mulf %mul3A_273, %get3A_272 : vector<16xf32>
        %add3A_275 = arith.addf %add3A_225, %mul3A_274 : vector<16xf32>
        %slice3A_276 = vector.extract_strided_slice %get3A_250 {offsets = [2], sizes = [1], strides = [1]} : vector<16xi32> to vector<1xi32>
        %squeeze3A_277 = vector.extract %slice3A_276[0] : i32 from vector<1xi32>
        %slice3A_278 = vector.extract_strided_slice %get3A_255 {offsets = [2], sizes = [1], strides = [1]} : vector<16xf32> to vector<1xf32>
        %squeeze3A_279 = vector.extract %slice3A_278[0] : f32 from vector<1xf32>
        %get3A_280 = arith.index_cast %squeeze3A_277 : i32 to index
        %get3A_281 = tpu.vector_load %arg6[%get3A_280] {strides = array<i32>} : memref<87040xf32, #tpu.memory_space<vmem>>, vector<16xf32>,
        %get3A_282 = vector.shape_cast %get3A_281 : vector<16xf32> to vector<16xf32>
        %mul3A_283 = vector.broadcast %squeeze3A_279 : f32 to vector<16xf32>
        %mul3A_284 = arith.mulf %mul3A_283, %get3A_282 : vector<16xf32>
        %add3A_285 = arith.addf %add3A_235, %mul3A_284 : vector<16xf32>
        %slice3A_286 = vector.extract_strided_slice %get3A_250 {offsets = [3], sizes = [1], strides = [1]} : vector<16xi32> to vector<1xi32>
        %squeeze3A_287 = vector.extract %slice3A_286[0] : i32 from vector<1xi32>
        %slice3A_288 = vector.extract_strided_slice %get3A_255 {offsets = [3], sizes = [1], strides = [1]} : vector<16xf32> to vector<1xf32>
        %squeeze3A_289 = vector.extract %slice3A_288[0] : f32 from vector<1xf32>
        %get3A_290 = arith.index_cast %squeeze3A_287 : i32 to index
        %get3A_291 = tpu.vector_load %arg6[%get3A_290] {strides = array<i32>} : memref<87040xf32, #tpu.memory_space<vmem>>, vector<16xf32>,
        %get3A_292 = vector.shape_cast %get3A_291 : vector<16xf32> to vector<16xf32>
        %mul3A_293 = vector.broadcast %squeeze3A_289 : f32 to vector<16xf32>
        %mul3A_294 = arith.mulf %mul3A_293, %get3A_292 : vector<16xf32>
        %add3A_295 = arith.addf %add3A_245, %mul3A_294 : vector<16xf32>
        %slice3A_296 = vector.extract_strided_slice %get3A_250 {offsets = [4], sizes = [1], strides = [1]} : vector<16xi32> to vector<1xi32>
        %squeeze3A_297 = vector.extract %slice3A_296[0] : i32 from vector<1xi32>
        %slice3A_298 = vector.extract_strided_slice %get3A_255 {offsets = [4], sizes = [1], strides = [1]} : vector<16xf32> to vector<1xf32>
        %squeeze3A_299 = vector.extract %slice3A_298[0] : f32 from vector<1xf32>
        %get3A_300 = arith.index_cast %squeeze3A_297 : i32 to index
        %get3A_301 = tpu.vector_load %arg6[%get3A_300] {strides = array<i32>} : memref<87040xf32, #tpu.memory_space<vmem>>, vector<16xf32>,
        %get3A_302 = vector.shape_cast %get3A_301 : vector<16xf32> to vector<16xf32>
        %mul3A_303 = vector.broadcast %squeeze3A_299 : f32 to vector<16xf32>
        %mul3A_304 = arith.mulf %mul3A_303, %get3A_302 : vector<16xf32>
        %add3A_305 = arith.addf %add3A_265, %mul3A_304 : vector<16xf32>
        %slice3A_306 = vector.extract_strided_slice %get3A_250 {offsets = [5], sizes = [1], strides = [1]} : vector<16xi32> to vector<1xi32>
        %squeeze3A_307 = vector.extract %slice3A_306[0] : i32 from vector<1xi32>
        %slice3A_308 = vector.extract_strided_slice %get3A_255 {offsets = [5], sizes = [1], strides = [1]} : vector<16xf32> to vector<1xf32>
        %squeeze3A_309 = vector.extract %slice3A_308[0] : f32 from vector<1xf32>
        %get3A_310 = arith.index_cast %squeeze3A_307 : i32 to index
        %get3A_311 = tpu.vector_load %arg6[%get3A_310] {strides = array<i32>} : memref<87040xf32, #tpu.memory_space<vmem>>, vector<16xf32>,
        %get3A_312 = vector.shape_cast %get3A_311 : vector<16xf32> to vector<16xf32>
        %mul3A_313 = vector.broadcast %squeeze3A_309 : f32 to vector<16xf32>
        %mul3A_314 = arith.mulf %mul3A_313, %get3A_312 : vector<16xf32>
        %add3A_315 = arith.addf %add3A_275, %mul3A_314 : vector<16xf32>
        %slice3A_316 = vector.extract_strided_slice %get3A_250 {offsets = [6], sizes = [1], strides = [1]} : vector<16xi32> to vector<1xi32>
        %squeeze3A_317 = vector.extract %slice3A_316[0] : i32 from vector<1xi32>
        %slice3A_318 = vector.extract_strided_slice %get3A_255 {offsets = [6], sizes = [1], strides = [1]} : vector<16xf32> to vector<1xf32>
        %squeeze3A_319 = vector.extract %slice3A_318[0] : f32 from vector<1xf32>
        %get3A_320 = arith.index_cast %squeeze3A_317 : i32 to index
        %get3A_321 = tpu.vector_load %arg6[%get3A_320] {strides = array<i32>} : memref<87040xf32, #tpu.memory_space<vmem>>, vector<16xf32>,
        %get3A_322 = vector.shape_cast %get3A_321 : vector<16xf32> to vector<16xf32>
        %mul3A_323 = vector.broadcast %squeeze3A_319 : f32 to vector<16xf32>
        %mul3A_324 = arith.mulf %mul3A_323, %get3A_322 : vector<16xf32>
        %add3A_325 = arith.addf %add3A_285, %mul3A_324 : vector<16xf32>
        %slice3A_326 = vector.extract_strided_slice %get3A_250 {offsets = [7], sizes = [1], strides = [1]} : vector<16xi32> to vector<1xi32>
        %squeeze3A_327 = vector.extract %slice3A_326[0] : i32 from vector<1xi32>
        %slice3A_328 = vector.extract_strided_slice %get3A_255 {offsets = [7], sizes = [1], strides = [1]} : vector<16xf32> to vector<1xf32>
        %squeeze3A_329 = vector.extract %slice3A_328[0] : f32 from vector<1xf32>
        %get3A_330 = arith.index_cast %squeeze3A_327 : i32 to index
        %get3A_331 = tpu.vector_load %arg6[%get3A_330] {strides = array<i32>} : memref<87040xf32, #tpu.memory_space<vmem>>, vector<16xf32>,
        %get3A_332 = vector.shape_cast %get3A_331 : vector<16xf32> to vector<16xf32>
        %mul3A_333 = vector.broadcast %squeeze3A_329 : f32 to vector<16xf32>
        %mul3A_334 = arith.mulf %mul3A_333, %get3A_332 : vector<16xf32>
        %add3A_335 = arith.addf %add3A_295, %mul3A_334 : vector<16xf32>
        %slice3A_336 = vector.extract_strided_slice %get3A_250 {offsets = [8], sizes = [1], strides = [1]} : vector<16xi32> to vector<1xi32>
        %squeeze3A_337 = vector.extract %slice3A_336[0] : i32 from vector<1xi32>
        %slice3A_338 = vector.extract_strided_slice %get3A_255 {offsets = [8], sizes = [1], strides = [1]} : vector<16xf32> to vector<1xf32>
        %squeeze3A_339 = vector.extract %slice3A_338[0] : f32 from vector<1xf32>
        %get3A_340 = arith.index_cast %squeeze3A_337 : i32 to index
        %get3A_341 = tpu.vector_load %arg6[%get3A_340] {strides = array<i32>} : memref<87040xf32, #tpu.memory_space<vmem>>, vector<16xf32>,
        %get3A_342 = vector.shape_cast %get3A_341 : vector<16xf32> to vector<16xf32>
        %mul3A_343 = vector.broadcast %squeeze3A_339 : f32 to vector<16xf32>
        %mul3A_344 = arith.mulf %mul3A_343, %get3A_342 : vector<16xf32>
        %add3A_345 = arith.addf %add3A_305, %mul3A_344 : vector<16xf32>
        %slice3A_346 = vector.extract_strided_slice %get3A_250 {offsets = [9], sizes = [1], strides = [1]} : vector<16xi32> to vector<1xi32>
        %squeeze3A_347 = vector.extract %slice3A_346[0] : i32 from vector<1xi32>
        %slice3A_348 = vector.extract_strided_slice %get3A_255 {offsets = [9], sizes = [1], strides = [1]} : vector<16xf32> to vector<1xf32>
        %squeeze3A_349 = vector.extract %slice3A_348[0] : f32 from vector<1xf32>
        %get3A_350 = arith.index_cast %squeeze3A_347 : i32 to index
        %get3A_351 = tpu.vector_load %arg6[%get3A_350] {strides = array<i32>} : memref<87040xf32, #tpu.memory_space<vmem>>, vector<16xf32>,
        %get3A_352 = vector.shape_cast %get3A_351 : vector<16xf32> to vector<16xf32>
        %mul3A_353 = vector.broadcast %squeeze3A_349 : f32 to vector<16xf32>
        %mul3A_354 = arith.mulf %mul3A_353, %get3A_352 : vector<16xf32>
        %add3A_355 = arith.addf %add3A_315, %mul3A_354 : vector<16xf32>
        %slice3A_356 = vector.extract_strided_slice %get3A_250 {offsets = [10], sizes = [1], strides = [1]} : vector<16xi32> to vector<1xi32>
        %squeeze3A_357 = vector.extract %slice3A_356[0] : i32 from vector<1xi32>
        %slice3A_358 = vector.extract_strided_slice %get3A_255 {offsets = [10], sizes = [1], strides = [1]} : vector<16xf32> to vector<1xf32>
        %squeeze3A_359 = vector.extract %slice3A_358[0] : f32 from vector<1xf32>
        %get3A_360 = arith.index_cast %squeeze3A_357 : i32 to index
        %get3A_361 = tpu.vector_load %arg6[%get3A_360] {strides = array<i32>} : memref<87040xf32, #tpu.memory_space<vmem>>, vector<16xf32>,
        %get3A_362 = vector.shape_cast %get3A_361 : vector<16xf32> to vector<16xf32>
        %mul3A_363 = vector.broadcast %squeeze3A_359 : f32 to vector<16xf32>
        %mul3A_364 = arith.mulf %mul3A_363, %get3A_362 : vector<16xf32>
        %add3A_365 = arith.addf %add3A_325, %mul3A_364 : vector<16xf32>
        %slice3A_366 = vector.extract_strided_slice %get3A_250 {offsets = [11], sizes = [1], strides = [1]} : vector<16xi32> to vector<1xi32>
        %squeeze3A_367 = vector.extract %slice3A_366[0] : i32 from vector<1xi32>
        %slice3A_368 = vector.extract_strided_slice %get3A_255 {offsets = [11], sizes = [1], strides = [1]} : vector<16xf32> to vector<1xf32>
        %squeeze3A_369 = vector.extract %slice3A_368[0] : f32 from vector<1xf32>
        %get3A_370 = arith.index_cast %squeeze3A_367 : i32 to index
        %get3A_371 = tpu.vector_load %arg6[%get3A_370] {strides = array<i32>} : memref<87040xf32, #tpu.memory_space<vmem>>, vector<16xf32>,
        %get3A_372 = vector.shape_cast %get3A_371 : vector<16xf32> to vector<16xf32>
        %mul3A_373 = vector.broadcast %squeeze3A_369 : f32 to vector<16xf32>
        %mul3A_374 = arith.mulf %mul3A_373, %get3A_372 : vector<16xf32>
        %add3A_375 = arith.addf %add3A_335, %mul3A_374 : vector<16xf32>
        %slice3A_376 = vector.extract_strided_slice %get3A_250 {offsets = [12], sizes = [1], strides = [1]} : vector<16xi32> to vector<1xi32>
        %squeeze3A_377 = vector.extract %slice3A_376[0] : i32 from vector<1xi32>
        %slice3A_378 = vector.extract_strided_slice %get3A_255 {offsets = [12], sizes = [1], strides = [1]} : vector<16xf32> to vector<1xf32>
        %squeeze3A_379 = vector.extract %slice3A_378[0] : f32 from vector<1xf32>
        %get3A_380 = arith.index_cast %squeeze3A_377 : i32 to index
        %get3A_381 = tpu.vector_load %arg6[%get3A_380] {strides = array<i32>} : memref<87040xf32, #tpu.memory_space<vmem>>, vector<16xf32>,
        %get3A_382 = vector.shape_cast %get3A_381 : vector<16xf32> to vector<16xf32>
        %mul3A_383 = vector.broadcast %squeeze3A_379 : f32 to vector<16xf32>
        %mul3A_384 = arith.mulf %mul3A_383, %get3A_382 : vector<16xf32>
        %add3A_385 = arith.addf %add3A_345, %mul3A_384 : vector<16xf32>
        %slice3A_386 = vector.extract_strided_slice %get3A_250 {offsets = [13], sizes = [1], strides = [1]} : vector<16xi32> to vector<1xi32>
        %squeeze3A_387 = vector.extract %slice3A_386[0] : i32 from vector<1xi32>
        %slice3A_388 = vector.extract_strided_slice %get3A_255 {offsets = [13], sizes = [1], strides = [1]} : vector<16xf32> to vector<1xf32>
        %squeeze3A_389 = vector.extract %slice3A_388[0] : f32 from vector<1xf32>
        %get3A_390 = arith.index_cast %squeeze3A_387 : i32 to index
        %get3A_391 = tpu.vector_load %arg6[%get3A_390] {strides = array<i32>} : memref<87040xf32, #tpu.memory_space<vmem>>, vector<16xf32>,
        %get3A_392 = vector.shape_cast %get3A_391 : vector<16xf32> to vector<16xf32>
        %mul3A_393 = vector.broadcast %squeeze3A_389 : f32 to vector<16xf32>
        %mul3A_394 = arith.mulf %mul3A_393, %get3A_392 : vector<16xf32>
        %add3A_395 = arith.addf %add3A_355, %mul3A_394 : vector<16xf32>
        %slice3A_396 = vector.extract_strided_slice %get3A_250 {offsets = [14], sizes = [1], strides = [1]} : vector<16xi32> to vector<1xi32>
        %squeeze3A_397 = vector.extract %slice3A_396[0] : i32 from vector<1xi32>
        %slice3A_398 = vector.extract_strided_slice %get3A_255 {offsets = [14], sizes = [1], strides = [1]} : vector<16xf32> to vector<1xf32>
        %squeeze3A_399 = vector.extract %slice3A_398[0] : f32 from vector<1xf32>
        %get3A_400 = arith.index_cast %squeeze3A_397 : i32 to index
        %get3A_401 = tpu.vector_load %arg6[%get3A_400] {strides = array<i32>} : memref<87040xf32, #tpu.memory_space<vmem>>, vector<16xf32>,
        %get3A_402 = vector.shape_cast %get3A_401 : vector<16xf32> to vector<16xf32>
        %mul3A_403 = vector.broadcast %squeeze3A_399 : f32 to vector<16xf32>
        %mul3A_404 = arith.mulf %mul3A_403, %get3A_402 : vector<16xf32>
        %add3A_405 = arith.addf %add3A_365, %mul3A_404 : vector<16xf32>
        %slice3A_406 = vector.extract_strided_slice %get3A_250 {offsets = [15], sizes = [1], strides = [1]} : vector<16xi32> to vector<1xi32>
        %squeeze3A_407 = vector.extract %slice3A_406[0] : i32 from vector<1xi32>
        %slice3A_408 = vector.extract_strided_slice %get3A_255 {offsets = [15], sizes = [1], strides = [1]} : vector<16xf32> to vector<1xf32>
        %squeeze3A_409 = vector.extract %slice3A_408[0] : f32 from vector<1xf32>
        %get3A_410 = arith.index_cast %squeeze3A_407 : i32 to index
        %get3A_411 = tpu.vector_load %arg6[%get3A_410] {strides = array<i32>} : memref<87040xf32, #tpu.memory_space<vmem>>, vector<16xf32>,
        %get3A_412 = vector.shape_cast %get3A_411 : vector<16xf32> to vector<16xf32>
        %mul3A_413 = vector.broadcast %squeeze3A_409 : f32 to vector<16xf32>
        %mul3A_414 = arith.mulf %mul3A_413, %get3A_412 : vector<16xf32>
        %add3A_415 = arith.addf %add3A_375, %mul3A_414 : vector<16xf32>
        %add3A_416 = arith.constant 32 : i32
        %add3A_417 = arith.addi %mul3A_78, %add3A_416 : i32
        %get3A_418 = arith.index_cast %add3A_417 : i32 to index
        %get3A_419 = tpu.vector_load %arg7[%get3A_418] {strides = array<i32>} : memref<10240xi32, #tpu.memory_space<vmem>>, vector<16xi32>,
        %get3A_420 = vector.shape_cast %get3A_419 : vector<16xi32> to vector<16xi32>
        %add3A_421 = arith.constant 32 : i32
        %add3A_422 = arith.addi %mul3A_78, %add3A_421 : i32
        %get3A_423 = arith.index_cast %add3A_422 : i32 to index
        %get3A_424 = tpu.vector_load %arg8[%get3A_423] {strides = array<i32>} : memref<10240xf32, #tpu.memory_space<vmem>>, vector<16xf32>,
        %get3A_425 = vector.shape_cast %get3A_424 : vector<16xf32> to vector<16xf32>
        %slice3A_426 = vector.extract_strided_slice %get3A_420 {offsets = [0], sizes = [1], strides = [1]} : vector<16xi32> to vector<1xi32>
        %squeeze3A_427 = vector.extract %slice3A_426[0] : i32 from vector<1xi32>
        %slice3A_428 = vector.extract_strided_slice %get3A_425 {offsets = [0], sizes = [1], strides = [1]} : vector<16xf32> to vector<1xf32>
        %squeeze3A_429 = vector.extract %slice3A_428[0] : f32 from vector<1xf32>
        %get3A_430 = arith.index_cast %squeeze3A_427 : i32 to index
        %get3A_431 = tpu.vector_load %arg6[%get3A_430] {strides = array<i32>} : memref<87040xf32, #tpu.memory_space<vmem>>, vector<16xf32>,
        %get3A_432 = vector.shape_cast %get3A_431 : vector<16xf32> to vector<16xf32>
        %mul3A_433 = vector.broadcast %squeeze3A_429 : f32 to vector<16xf32>
        %mul3A_434 = arith.mulf %mul3A_433, %get3A_432 : vector<16xf32>
        %add3A_435 = arith.addf %add3A_385, %mul3A_434 : vector<16xf32>
        %slice3A_436 = vector.extract_strided_slice %get3A_420 {offsets = [1], sizes = [1], strides = [1]} : vector<16xi32> to vector<1xi32>
        %squeeze3A_437 = vector.extract %slice3A_436[0] : i32 from vector<1xi32>
        %slice3A_438 = vector.extract_strided_slice %get3A_425 {offsets = [1], sizes = [1], strides = [1]} : vector<16xf32> to vector<1xf32>
        %squeeze3A_439 = vector.extract %slice3A_438[0] : f32 from vector<1xf32>
        %get3A_440 = arith.index_cast %squeeze3A_437 : i32 to index
        %get3A_441 = tpu.vector_load %arg6[%get3A_440] {strides = array<i32>} : memref<87040xf32, #tpu.memory_space<vmem>>, vector<16xf32>,
        %get3A_442 = vector.shape_cast %get3A_441 : vector<16xf32> to vector<16xf32>
        %mul3A_443 = vector.broadcast %squeeze3A_439 : f32 to vector<16xf32>
        %mul3A_444 = arith.mulf %mul3A_443, %get3A_442 : vector<16xf32>
        %add3A_445 = arith.addf %add3A_395, %mul3A_444 : vector<16xf32>
        %slice3A_446 = vector.extract_strided_slice %get3A_420 {offsets = [2], sizes = [1], strides = [1]} : vector<16xi32> to vector<1xi32>
        %squeeze3A_447 = vector.extract %slice3A_446[0] : i32 from vector<1xi32>
        %slice3A_448 = vector.extract_strided_slice %get3A_425 {offsets = [2], sizes = [1], strides = [1]} : vector<16xf32> to vector<1xf32>
        %squeeze3A_449 = vector.extract %slice3A_448[0] : f32 from vector<1xf32>
        %get3A_450 = arith.index_cast %squeeze3A_447 : i32 to index
        %get3A_451 = tpu.vector_load %arg6[%get3A_450] {strides = array<i32>} : memref<87040xf32, #tpu.memory_space<vmem>>, vector<16xf32>,
        %get3A_452 = vector.shape_cast %get3A_451 : vector<16xf32> to vector<16xf32>
        %mul3A_453 = vector.broadcast %squeeze3A_449 : f32 to vector<16xf32>
        %mul3A_454 = arith.mulf %mul3A_453, %get3A_452 : vector<16xf32>
        %add3A_455 = arith.addf %add3A_405, %mul3A_454 : vector<16xf32>
        %slice3A_456 = vector.extract_strided_slice %get3A_420 {offsets = [3], sizes = [1], strides = [1]} : vector<16xi32> to vector<1xi32>
        %squeeze3A_457 = vector.extract %slice3A_456[0] : i32 from vector<1xi32>
        %slice3A_458 = vector.extract_strided_slice %get3A_425 {offsets = [3], sizes = [1], strides = [1]} : vector<16xf32> to vector<1xf32>
        %squeeze3A_459 = vector.extract %slice3A_458[0] : f32 from vector<1xf32>
        %get3A_460 = arith.index_cast %squeeze3A_457 : i32 to index
        %get3A_461 = tpu.vector_load %arg6[%get3A_460] {strides = array<i32>} : memref<87040xf32, #tpu.memory_space<vmem>>, vector<16xf32>,
        %get3A_462 = vector.shape_cast %get3A_461 : vector<16xf32> to vector<16xf32>
        %mul3A_463 = vector.broadcast %squeeze3A_459 : f32 to vector<16xf32>
        %mul3A_464 = arith.mulf %mul3A_463, %get3A_462 : vector<16xf32>
        %add3A_465 = arith.addf %add3A_415, %mul3A_464 : vector<16xf32>
        %slice3A_466 = vector.extract_strided_slice %get3A_420 {offsets = [4], sizes = [1], strides = [1]} : vector<16xi32> to vector<1xi32>
        %squeeze3A_467 = vector.extract %slice3A_466[0] : i32 from vector<1xi32>
        %slice3A_468 = vector.extract_strided_slice %get3A_425 {offsets = [4], sizes = [1], strides = [1]} : vector<16xf32> to vector<1xf32>
        %squeeze3A_469 = vector.extract %slice3A_468[0] : f32 from vector<1xf32>
        %get3A_470 = arith.index_cast %squeeze3A_467 : i32 to index
        %get3A_471 = tpu.vector_load %arg6[%get3A_470] {strides = array<i32>} : memref<87040xf32, #tpu.memory_space<vmem>>, vector<16xf32>,
        %get3A_472 = vector.shape_cast %get3A_471 : vector<16xf32> to vector<16xf32>
        %mul3A_473 = vector.broadcast %squeeze3A_469 : f32 to vector<16xf32>
        %mul3A_474 = arith.mulf %mul3A_473, %get3A_472 : vector<16xf32>
        %add3A_475 = arith.addf %add3A_435, %mul3A_474 : vector<16xf32>
        %slice3A_476 = vector.extract_strided_slice %get3A_420 {offsets = [5], sizes = [1], strides = [1]} : vector<16xi32> to vector<1xi32>
        %squeeze3A_477 = vector.extract %slice3A_476[0] : i32 from vector<1xi32>
        %slice3A_478 = vector.extract_strided_slice %get3A_425 {offsets = [5], sizes = [1], strides = [1]} : vector<16xf32> to vector<1xf32>
        %squeeze3A_479 = vector.extract %slice3A_478[0] : f32 from vector<1xf32>
        %get3A_480 = arith.index_cast %squeeze3A_477 : i32 to index
        %get3A_481 = tpu.vector_load %arg6[%get3A_480] {strides = array<i32>} : memref<87040xf32, #tpu.memory_space<vmem>>, vector<16xf32>,
        %get3A_482 = vector.shape_cast %get3A_481 : vector<16xf32> to vector<16xf32>
        %mul3A_483 = vector.broadcast %squeeze3A_479 : f32 to vector<16xf32>
        %mul3A_484 = arith.mulf %mul3A_483, %get3A_482 : vector<16xf32>
        %add3A_485 = arith.addf %add3A_445, %mul3A_484 : vector<16xf32>
        %slice3A_486 = vector.extract_strided_slice %get3A_420 {offsets = [6], sizes = [1], strides = [1]} : vector<16xi32> to vector<1xi32>
        %squeeze3A_487 = vector.extract %slice3A_486[0] : i32 from vector<1xi32>
        %slice3A_488 = vector.extract_strided_slice %get3A_425 {offsets = [6], sizes = [1], strides = [1]} : vector<16xf32> to vector<1xf32>
        %squeeze3A_489 = vector.extract %slice3A_488[0] : f32 from vector<1xf32>
        %get3A_490 = arith.index_cast %squeeze3A_487 : i32 to index
        %get3A_491 = tpu.vector_load %arg6[%get3A_490] {strides = array<i32>} : memref<87040xf32, #tpu.memory_space<vmem>>, vector<16xf32>,
        %get3A_492 = vector.shape_cast %get3A_491 : vector<16xf32> to vector<16xf32>
        %mul3A_493 = vector.broadcast %squeeze3A_489 : f32 to vector<16xf32>
        %mul3A_494 = arith.mulf %mul3A_493, %get3A_492 : vector<16xf32>
        %add3A_495 = arith.addf %add3A_455, %mul3A_494 : vector<16xf32>
        %slice3A_496 = vector.extract_strided_slice %get3A_420 {offsets = [7], sizes = [1], strides = [1]} : vector<16xi32> to vector<1xi32>
        %squeeze3A_497 = vector.extract %slice3A_496[0] : i32 from vector<1xi32>
        %slice3A_498 = vector.extract_strided_slice %get3A_425 {offsets = [7], sizes = [1], strides = [1]} : vector<16xf32> to vector<1xf32>
        %squeeze3A_499 = vector.extract %slice3A_498[0] : f32 from vector<1xf32>
        %get3A_500 = arith.index_cast %squeeze3A_497 : i32 to index
        %get3A_501 = tpu.vector_load %arg6[%get3A_500] {strides = array<i32>} : memref<87040xf32, #tpu.memory_space<vmem>>, vector<16xf32>,
        %get3A_502 = vector.shape_cast %get3A_501 : vector<16xf32> to vector<16xf32>
        %mul3A_503 = vector.broadcast %squeeze3A_499 : f32 to vector<16xf32>
        %mul3A_504 = arith.mulf %mul3A_503, %get3A_502 : vector<16xf32>
        %add3A_505 = arith.addf %add3A_465, %mul3A_504 : vector<16xf32>
        %slice3A_506 = vector.extract_strided_slice %get3A_420 {offsets = [8], sizes = [1], strides = [1]} : vector<16xi32> to vector<1xi32>
        %squeeze3A_507 = vector.extract %slice3A_506[0] : i32 from vector<1xi32>
        %slice3A_508 = vector.extract_strided_slice %get3A_425 {offsets = [8], sizes = [1], strides = [1]} : vector<16xf32> to vector<1xf32>
        %squeeze3A_509 = vector.extract %slice3A_508[0] : f32 from vector<1xf32>
        %get3A_510 = arith.index_cast %squeeze3A_507 : i32 to index
        %get3A_511 = tpu.vector_load %arg6[%get3A_510] {strides = array<i32>} : memref<87040xf32, #tpu.memory_space<vmem>>, vector<16xf32>,
        %get3A_512 = vector.shape_cast %get3A_511 : vector<16xf32> to vector<16xf32>
        %mul3A_513 = vector.broadcast %squeeze3A_509 : f32 to vector<16xf32>
        %mul3A_514 = arith.mulf %mul3A_513, %get3A_512 : vector<16xf32>
        %add3A_515 = arith.addf %add3A_475, %mul3A_514 : vector<16xf32>
        %slice3A_516 = vector.extract_strided_slice %get3A_420 {offsets = [9], sizes = [1], strides = [1]} : vector<16xi32> to vector<1xi32>
        %squeeze3A_517 = vector.extract %slice3A_516[0] : i32 from vector<1xi32>
        %slice3A_518 = vector.extract_strided_slice %get3A_425 {offsets = [9], sizes = [1], strides = [1]} : vector<16xf32> to vector<1xf32>
        %squeeze3A_519 = vector.extract %slice3A_518[0] : f32 from vector<1xf32>
        %get3A_520 = arith.index_cast %squeeze3A_517 : i32 to index
        %get3A_521 = tpu.vector_load %arg6[%get3A_520] {strides = array<i32>} : memref<87040xf32, #tpu.memory_space<vmem>>, vector<16xf32>,
        %get3A_522 = vector.shape_cast %get3A_521 : vector<16xf32> to vector<16xf32>
        %mul3A_523 = vector.broadcast %squeeze3A_519 : f32 to vector<16xf32>
        %mul3A_524 = arith.mulf %mul3A_523, %get3A_522 : vector<16xf32>
        %add3A_525 = arith.addf %add3A_485, %mul3A_524 : vector<16xf32>
        %slice3A_526 = vector.extract_strided_slice %get3A_420 {offsets = [10], sizes = [1], strides = [1]} : vector<16xi32> to vector<1xi32>
        %squeeze3A_527 = vector.extract %slice3A_526[0] : i32 from vector<1xi32>
        %slice3A_528 = vector.extract_strided_slice %get3A_425 {offsets = [10], sizes = [1], strides = [1]} : vector<16xf32> to vector<1xf32>
        %squeeze3A_529 = vector.extract %slice3A_528[0] : f32 from vector<1xf32>
        %get3A_530 = arith.index_cast %squeeze3A_527 : i32 to index
        %get3A_531 = tpu.vector_load %arg6[%get3A_530] {strides = array<i32>} : memref<87040xf32, #tpu.memory_space<vmem>>, vector<16xf32>,
        %get3A_532 = vector.shape_cast %get3A_531 : vector<16xf32> to vector<16xf32>
        %mul3A_533 = vector.broadcast %squeeze3A_529 : f32 to vector<16xf32>
        %mul3A_534 = arith.mulf %mul3A_533, %get3A_532 : vector<16xf32>
        %add3A_535 = arith.addf %add3A_495, %mul3A_534 : vector<16xf32>
        %slice3A_536 = vector.extract_strided_slice %get3A_420 {offsets = [11], sizes = [1], strides = [1]} : vector<16xi32> to vector<1xi32>
        %squeeze3A_537 = vector.extract %slice3A_536[0] : i32 from vector<1xi32>
        %slice3A_538 = vector.extract_strided_slice %get3A_425 {offsets = [11], sizes = [1], strides = [1]} : vector<16xf32> to vector<1xf32>
        %squeeze3A_539 = vector.extract %slice3A_538[0] : f32 from vector<1xf32>
        %get3A_540 = arith.index_cast %squeeze3A_537 : i32 to index
        %get3A_541 = tpu.vector_load %arg6[%get3A_540] {strides = array<i32>} : memref<87040xf32, #tpu.memory_space<vmem>>, vector<16xf32>,
        %get3A_542 = vector.shape_cast %get3A_541 : vector<16xf32> to vector<16xf32>
        %mul3A_543 = vector.broadcast %squeeze3A_539 : f32 to vector<16xf32>
        %mul3A_544 = arith.mulf %mul3A_543, %get3A_542 : vector<16xf32>
        %add3A_545 = arith.addf %add3A_505, %mul3A_544 : vector<16xf32>
        %slice3A_546 = vector.extract_strided_slice %get3A_420 {offsets = [12], sizes = [1], strides = [1]} : vector<16xi32> to vector<1xi32>
        %squeeze3A_547 = vector.extract %slice3A_546[0] : i32 from vector<1xi32>
        %slice3A_548 = vector.extract_strided_slice %get3A_425 {offsets = [12], sizes = [1], strides = [1]} : vector<16xf32> to vector<1xf32>
        %squeeze3A_549 = vector.extract %slice3A_548[0] : f32 from vector<1xf32>
        %get3A_550 = arith.index_cast %squeeze3A_547 : i32 to index
        %get3A_551 = tpu.vector_load %arg6[%get3A_550] {strides = array<i32>} : memref<87040xf32, #tpu.memory_space<vmem>>, vector<16xf32>,
        %get3A_552 = vector.shape_cast %get3A_551 : vector<16xf32> to vector<16xf32>
        %mul3A_553 = vector.broadcast %squeeze3A_549 : f32 to vector<16xf32>
        %mul3A_554 = arith.mulf %mul3A_553, %get3A_552 : vector<16xf32>
        %add3A_555 = arith.addf %add3A_515, %mul3A_554 : vector<16xf32>
        %slice3A_556 = vector.extract_strided_slice %get3A_420 {offsets = [13], sizes = [1], strides = [1]} : vector<16xi32> to vector<1xi32>
        %squeeze3A_557 = vector.extract %slice3A_556[0] : i32 from vector<1xi32>
        %slice3A_558 = vector.extract_strided_slice %get3A_425 {offsets = [13], sizes = [1], strides = [1]} : vector<16xf32> to vector<1xf32>
        %squeeze3A_559 = vector.extract %slice3A_558[0] : f32 from vector<1xf32>
        %get3A_560 = arith.index_cast %squeeze3A_557 : i32 to index
        %get3A_561 = tpu.vector_load %arg6[%get3A_560] {strides = array<i32>} : memref<87040xf32, #tpu.memory_space<vmem>>, vector<16xf32>,
        %get3A_562 = vector.shape_cast %get3A_561 : vector<16xf32> to vector<16xf32>
        %mul3A_563 = vector.broadcast %squeeze3A_559 : f32 to vector<16xf32>
        %mul3A_564 = arith.mulf %mul3A_563, %get3A_562 : vector<16xf32>
        %add3A_565 = arith.addf %add3A_525, %mul3A_564 : vector<16xf32>
        %slice3A_566 = vector.extract_strided_slice %get3A_420 {offsets = [14], sizes = [1], strides = [1]} : vector<16xi32> to vector<1xi32>
        %squeeze3A_567 = vector.extract %slice3A_566[0] : i32 from vector<1xi32>
        %slice3A_568 = vector.extract_strided_slice %get3A_425 {offsets = [14], sizes = [1], strides = [1]} : vector<16xf32> to vector<1xf32>
        %squeeze3A_569 = vector.extract %slice3A_568[0] : f32 from vector<1xf32>
        %get3A_570 = arith.index_cast %squeeze3A_567 : i32 to index
        %get3A_571 = tpu.vector_load %arg6[%get3A_570] {strides = array<i32>} : memref<87040xf32, #tpu.memory_space<vmem>>, vector<16xf32>,
        %get3A_572 = vector.shape_cast %get3A_571 : vector<16xf32> to vector<16xf32>
        %mul3A_573 = vector.broadcast %squeeze3A_569 : f32 to vector<16xf32>
        %mul3A_574 = arith.mulf %mul3A_573, %get3A_572 : vector<16xf32>
        %add3A_575 = arith.addf %add3A_535, %mul3A_574 : vector<16xf32>
        %slice3A_576 = vector.extract_strided_slice %get3A_420 {offsets = [15], sizes = [1], strides = [1]} : vector<16xi32> to vector<1xi32>
        %squeeze3A_577 = vector.extract %slice3A_576[0] : i32 from vector<1xi32>
        %slice3A_578 = vector.extract_strided_slice %get3A_425 {offsets = [15], sizes = [1], strides = [1]} : vector<16xf32> to vector<1xf32>
        %squeeze3A_579 = vector.extract %slice3A_578[0] : f32 from vector<1xf32>
        %get3A_580 = arith.index_cast %squeeze3A_577 : i32 to index
        %get3A_581 = tpu.vector_load %arg6[%get3A_580] {strides = array<i32>} : memref<87040xf32, #tpu.memory_space<vmem>>, vector<16xf32>,
        %get3A_582 = vector.shape_cast %get3A_581 : vector<16xf32> to vector<16xf32>
        %mul3A_583 = vector.broadcast %squeeze3A_579 : f32 to vector<16xf32>
        %mul3A_584 = arith.mulf %mul3A_583, %get3A_582 : vector<16xf32>
        %add3A_585 = arith.addf %add3A_545, %mul3A_584 : vector<16xf32>
        %add3A_586 = arith.constant 48 : i32
        %add3A_587 = arith.addi %mul3A_78, %add3A_586 : i32
        %get3A_588 = arith.index_cast %add3A_587 : i32 to index
        %get3A_589 = tpu.vector_load %arg7[%get3A_588] {strides = array<i32>} : memref<10240xi32, #tpu.memory_space<vmem>>, vector<16xi32>,
        %get3A_590 = vector.shape_cast %get3A_589 : vector<16xi32> to vector<16xi32>
        %add3A_591 = arith.constant 48 : i32
        %add3A_592 = arith.addi %mul3A_78, %add3A_591 : i32
        %get3A_593 = arith.index_cast %add3A_592 : i32 to index
        %get3A_594 = tpu.vector_load %arg8[%get3A_593] {strides = array<i32>} : memref<10240xf32, #tpu.memory_space<vmem>>, vector<16xf32>,
        %get3A_595 = vector.shape_cast %get3A_594 : vector<16xf32> to vector<16xf32>
        %slice3A_596 = vector.extract_strided_slice %get3A_590 {offsets = [0], sizes = [1], strides = [1]} : vector<16xi32> to vector<1xi32>
        %squeeze3A_597 = vector.extract %slice3A_596[0] : i32 from vector<1xi32>
        %slice3A_598 = vector.extract_strided_slice %get3A_595 {offsets = [0], sizes = [1], strides = [1]} : vector<16xf32> to vector<1xf32>
        %squeeze3A_599 = vector.extract %slice3A_598[0] : f32 from vector<1xf32>
        %get3A_600 = arith.index_cast %squeeze3A_597 : i32 to index
        %get3A_601 = tpu.vector_load %arg6[%get3A_600] {strides = array<i32>} : memref<87040xf32, #tpu.memory_space<vmem>>, vector<16xf32>,
        %get3A_602 = vector.shape_cast %get3A_601 : vector<16xf32> to vector<16xf32>
        %mul3A_603 = vector.broadcast %squeeze3A_599 : f32 to vector<16xf32>
        %mul3A_604 = arith.mulf %mul3A_603, %get3A_602 : vector<16xf32>
        %add3A_605 = arith.addf %add3A_555, %mul3A_604 : vector<16xf32>
        %slice3A_606 = vector.extract_strided_slice %get3A_590 {offsets = [1], sizes = [1], strides = [1]} : vector<16xi32> to vector<1xi32>
        %squeeze3A_607 = vector.extract %slice3A_606[0] : i32 from vector<1xi32>
        %slice3A_608 = vector.extract_strided_slice %get3A_595 {offsets = [1], sizes = [1], strides = [1]} : vector<16xf32> to vector<1xf32>
        %squeeze3A_609 = vector.extract %slice3A_608[0] : f32 from vector<1xf32>
        %get3A_610 = arith.index_cast %squeeze3A_607 : i32 to index
        %get3A_611 = tpu.vector_load %arg6[%get3A_610] {strides = array<i32>} : memref<87040xf32, #tpu.memory_space<vmem>>, vector<16xf32>,
        %get3A_612 = vector.shape_cast %get3A_611 : vector<16xf32> to vector<16xf32>
        %mul3A_613 = vector.broadcast %squeeze3A_609 : f32 to vector<16xf32>
        %mul3A_614 = arith.mulf %mul3A_613, %get3A_612 : vector<16xf32>
        %add3A_615 = arith.addf %add3A_565, %mul3A_614 : vector<16xf32>
        %slice3A_616 = vector.extract_strided_slice %get3A_590 {offsets = [2], sizes = [1], strides = [1]} : vector<16xi32> to vector<1xi32>
        %squeeze3A_617 = vector.extract %slice3A_616[0] : i32 from vector<1xi32>
        %slice3A_618 = vector.extract_strided_slice %get3A_595 {offsets = [2], sizes = [1], strides = [1]} : vector<16xf32> to vector<1xf32>
        %squeeze3A_619 = vector.extract %slice3A_618[0] : f32 from vector<1xf32>
        %get3A_620 = arith.index_cast %squeeze3A_617 : i32 to index
        %get3A_621 = tpu.vector_load %arg6[%get3A_620] {strides = array<i32>} : memref<87040xf32, #tpu.memory_space<vmem>>, vector<16xf32>,
        %get3A_622 = vector.shape_cast %get3A_621 : vector<16xf32> to vector<16xf32>
        %mul3A_623 = vector.broadcast %squeeze3A_619 : f32 to vector<16xf32>
        %mul3A_624 = arith.mulf %mul3A_623, %get3A_622 : vector<16xf32>
        %add3A_625 = arith.addf %add3A_575, %mul3A_624 : vector<16xf32>
        %slice3A_626 = vector.extract_strided_slice %get3A_590 {offsets = [3], sizes = [1], strides = [1]} : vector<16xi32> to vector<1xi32>
        %squeeze3A_627 = vector.extract %slice3A_626[0] : i32 from vector<1xi32>
        %slice3A_628 = vector.extract_strided_slice %get3A_595 {offsets = [3], sizes = [1], strides = [1]} : vector<16xf32> to vector<1xf32>
        %squeeze3A_629 = vector.extract %slice3A_628[0] : f32 from vector<1xf32>
        %get3A_630 = arith.index_cast %squeeze3A_627 : i32 to index
        %get3A_631 = tpu.vector_load %arg6[%get3A_630] {strides = array<i32>} : memref<87040xf32, #tpu.memory_space<vmem>>, vector<16xf32>,
        %get3A_632 = vector.shape_cast %get3A_631 : vector<16xf32> to vector<16xf32>
        %mul3A_633 = vector.broadcast %squeeze3A_629 : f32 to vector<16xf32>
        %mul3A_634 = arith.mulf %mul3A_633, %get3A_632 : vector<16xf32>
        %add3A_635 = arith.addf %add3A_585, %mul3A_634 : vector<16xf32>
        %slice3A_636 = vector.extract_strided_slice %get3A_590 {offsets = [4], sizes = [1], strides = [1]} : vector<16xi32> to vector<1xi32>
        %squeeze3A_637 = vector.extract %slice3A_636[0] : i32 from vector<1xi32>
        %slice3A_638 = vector.extract_strided_slice %get3A_595 {offsets = [4], sizes = [1], strides = [1]} : vector<16xf32> to vector<1xf32>
        %squeeze3A_639 = vector.extract %slice3A_638[0] : f32 from vector<1xf32>
        %get3A_640 = arith.index_cast %squeeze3A_637 : i32 to index
        %get3A_641 = tpu.vector_load %arg6[%get3A_640] {strides = array<i32>} : memref<87040xf32, #tpu.memory_space<vmem>>, vector<16xf32>,
        %get3A_642 = vector.shape_cast %get3A_641 : vector<16xf32> to vector<16xf32>
        %mul3A_643 = vector.broadcast %squeeze3A_639 : f32 to vector<16xf32>
        %mul3A_644 = arith.mulf %mul3A_643, %get3A_642 : vector<16xf32>
        %add3A_645 = arith.addf %add3A_605, %mul3A_644 : vector<16xf32>
        %slice3A_646 = vector.extract_strided_slice %get3A_590 {offsets = [5], sizes = [1], strides = [1]} : vector<16xi32> to vector<1xi32>
        %squeeze3A_647 = vector.extract %slice3A_646[0] : i32 from vector<1xi32>
        %slice3A_648 = vector.extract_strided_slice %get3A_595 {offsets = [5], sizes = [1], strides = [1]} : vector<16xf32> to vector<1xf32>
        %squeeze3A_649 = vector.extract %slice3A_648[0] : f32 from vector<1xf32>
        %get3A_650 = arith.index_cast %squeeze3A_647 : i32 to index
        %get3A_651 = tpu.vector_load %arg6[%get3A_650] {strides = array<i32>} : memref<87040xf32, #tpu.memory_space<vmem>>, vector<16xf32>,
        %get3A_652 = vector.shape_cast %get3A_651 : vector<16xf32> to vector<16xf32>
        %mul3A_653 = vector.broadcast %squeeze3A_649 : f32 to vector<16xf32>
        %mul3A_654 = arith.mulf %mul3A_653, %get3A_652 : vector<16xf32>
        %add3A_655 = arith.addf %add3A_615, %mul3A_654 : vector<16xf32>
        %slice3A_656 = vector.extract_strided_slice %get3A_590 {offsets = [6], sizes = [1], strides = [1]} : vector<16xi32> to vector<1xi32>
        %squeeze3A_657 = vector.extract %slice3A_656[0] : i32 from vector<1xi32>
        %slice3A_658 = vector.extract_strided_slice %get3A_595 {offsets = [6], sizes = [1], strides = [1]} : vector<16xf32> to vector<1xf32>
        %squeeze3A_659 = vector.extract %slice3A_658[0] : f32 from vector<1xf32>
        %get3A_660 = arith.index_cast %squeeze3A_657 : i32 to index
        %get3A_661 = tpu.vector_load %arg6[%get3A_660] {strides = array<i32>} : memref<87040xf32, #tpu.memory_space<vmem>>, vector<16xf32>,
        %get3A_662 = vector.shape_cast %get3A_661 : vector<16xf32> to vector<16xf32>
        %mul3A_663 = vector.broadcast %squeeze3A_659 : f32 to vector<16xf32>
        %mul3A_664 = arith.mulf %mul3A_663, %get3A_662 : vector<16xf32>
        %add3A_665 = arith.addf %add3A_625, %mul3A_664 : vector<16xf32>
        %slice3A_666 = vector.extract_strided_slice %get3A_590 {offsets = [7], sizes = [1], strides = [1]} : vector<16xi32> to vector<1xi32>
        %squeeze3A_667 = vector.extract %slice3A_666[0] : i32 from vector<1xi32>
        %slice3A_668 = vector.extract_strided_slice %get3A_595 {offsets = [7], sizes = [1], strides = [1]} : vector<16xf32> to vector<1xf32>
        %squeeze3A_669 = vector.extract %slice3A_668[0] : f32 from vector<1xf32>
        %get3A_670 = arith.index_cast %squeeze3A_667 : i32 to index
        %get3A_671 = tpu.vector_load %arg6[%get3A_670] {strides = array<i32>} : memref<87040xf32, #tpu.memory_space<vmem>>, vector<16xf32>,
        %get3A_672 = vector.shape_cast %get3A_671 : vector<16xf32> to vector<16xf32>
        %mul3A_673 = vector.broadcast %squeeze3A_669 : f32 to vector<16xf32>
        %mul3A_674 = arith.mulf %mul3A_673, %get3A_672 : vector<16xf32>
        %add3A_675 = arith.addf %add3A_635, %mul3A_674 : vector<16xf32>
        %slice3A_676 = vector.extract_strided_slice %get3A_590 {offsets = [8], sizes = [1], strides = [1]} : vector<16xi32> to vector<1xi32>
        %squeeze3A_677 = vector.extract %slice3A_676[0] : i32 from vector<1xi32>
        %slice3A_678 = vector.extract_strided_slice %get3A_595 {offsets = [8], sizes = [1], strides = [1]} : vector<16xf32> to vector<1xf32>
        %squeeze3A_679 = vector.extract %slice3A_678[0] : f32 from vector<1xf32>
        %get3A_680 = arith.index_cast %squeeze3A_677 : i32 to index
        %get3A_681 = tpu.vector_load %arg6[%get3A_680] {strides = array<i32>} : memref<87040xf32, #tpu.memory_space<vmem>>, vector<16xf32>,
        %get3A_682 = vector.shape_cast %get3A_681 : vector<16xf32> to vector<16xf32>
        %mul3A_683 = vector.broadcast %squeeze3A_679 : f32 to vector<16xf32>
        %mul3A_684 = arith.mulf %mul3A_683, %get3A_682 : vector<16xf32>
        %add3A_685 = arith.addf %add3A_645, %mul3A_684 : vector<16xf32>
        %slice3A_686 = vector.extract_strided_slice %get3A_590 {offsets = [9], sizes = [1], strides = [1]} : vector<16xi32> to vector<1xi32>
        %squeeze3A_687 = vector.extract %slice3A_686[0] : i32 from vector<1xi32>
        %slice3A_688 = vector.extract_strided_slice %get3A_595 {offsets = [9], sizes = [1], strides = [1]} : vector<16xf32> to vector<1xf32>
        %squeeze3A_689 = vector.extract %slice3A_688[0] : f32 from vector<1xf32>
        %get3A_690 = arith.index_cast %squeeze3A_687 : i32 to index
        %get3A_691 = tpu.vector_load %arg6[%get3A_690] {strides = array<i32>} : memref<87040xf32, #tpu.memory_space<vmem>>, vector<16xf32>,
        %get3A_692 = vector.shape_cast %get3A_691 : vector<16xf32> to vector<16xf32>
        %mul3A_693 = vector.broadcast %squeeze3A_689 : f32 to vector<16xf32>
        %mul3A_694 = arith.mulf %mul3A_693, %get3A_692 : vector<16xf32>
        %add3A_695 = arith.addf %add3A_655, %mul3A_694 : vector<16xf32>
        %slice3A_696 = vector.extract_strided_slice %get3A_590 {offsets = [10], sizes = [1], strides = [1]} : vector<16xi32> to vector<1xi32>
        %squeeze3A_697 = vector.extract %slice3A_696[0] : i32 from vector<1xi32>
        %slice3A_698 = vector.extract_strided_slice %get3A_595 {offsets = [10], sizes = [1], strides = [1]} : vector<16xf32> to vector<1xf32>
        %squeeze3A_699 = vector.extract %slice3A_698[0] : f32 from vector<1xf32>
        %get3A_700 = arith.index_cast %squeeze3A_697 : i32 to index
        %get3A_701 = tpu.vector_load %arg6[%get3A_700] {strides = array<i32>} : memref<87040xf32, #tpu.memory_space<vmem>>, vector<16xf32>,
        %get3A_702 = vector.shape_cast %get3A_701 : vector<16xf32> to vector<16xf32>
        %mul3A_703 = vector.broadcast %squeeze3A_699 : f32 to vector<16xf32>
        %mul3A_704 = arith.mulf %mul3A_703, %get3A_702 : vector<16xf32>
        %add3A_705 = arith.addf %add3A_665, %mul3A_704 : vector<16xf32>
        %slice3A_706 = vector.extract_strided_slice %get3A_590 {offsets = [11], sizes = [1], strides = [1]} : vector<16xi32> to vector<1xi32>
        %squeeze3A_707 = vector.extract %slice3A_706[0] : i32 from vector<1xi32>
        %slice3A_708 = vector.extract_strided_slice %get3A_595 {offsets = [11], sizes = [1], strides = [1]} : vector<16xf32> to vector<1xf32>
        %squeeze3A_709 = vector.extract %slice3A_708[0] : f32 from vector<1xf32>
        %get3A_710 = arith.index_cast %squeeze3A_707 : i32 to index
        %get3A_711 = tpu.vector_load %arg6[%get3A_710] {strides = array<i32>} : memref<87040xf32, #tpu.memory_space<vmem>>, vector<16xf32>,
        %get3A_712 = vector.shape_cast %get3A_711 : vector<16xf32> to vector<16xf32>
        %mul3A_713 = vector.broadcast %squeeze3A_709 : f32 to vector<16xf32>
        %mul3A_714 = arith.mulf %mul3A_713, %get3A_712 : vector<16xf32>
        %add3A_715 = arith.addf %add3A_675, %mul3A_714 : vector<16xf32>
        %slice3A_716 = vector.extract_strided_slice %get3A_590 {offsets = [12], sizes = [1], strides = [1]} : vector<16xi32> to vector<1xi32>
        %squeeze3A_717 = vector.extract %slice3A_716[0] : i32 from vector<1xi32>
        %slice3A_718 = vector.extract_strided_slice %get3A_595 {offsets = [12], sizes = [1], strides = [1]} : vector<16xf32> to vector<1xf32>
        %squeeze3A_719 = vector.extract %slice3A_718[0] : f32 from vector<1xf32>
        %get3A_720 = arith.index_cast %squeeze3A_717 : i32 to index
        %get3A_721 = tpu.vector_load %arg6[%get3A_720] {strides = array<i32>} : memref<87040xf32, #tpu.memory_space<vmem>>, vector<16xf32>,
        %get3A_722 = vector.shape_cast %get3A_721 : vector<16xf32> to vector<16xf32>
        %mul3A_723 = vector.broadcast %squeeze3A_719 : f32 to vector<16xf32>
        %mul3A_724 = arith.mulf %mul3A_723, %get3A_722 : vector<16xf32>
        %add3A_725 = arith.addf %add3A_685, %mul3A_724 : vector<16xf32>
        %slice3A_726 = vector.extract_strided_slice %get3A_590 {offsets = [13], sizes = [1], strides = [1]} : vector<16xi32> to vector<1xi32>
        %squeeze3A_727 = vector.extract %slice3A_726[0] : i32 from vector<1xi32>
        %slice3A_728 = vector.extract_strided_slice %get3A_595 {offsets = [13], sizes = [1], strides = [1]} : vector<16xf32> to vector<1xf32>
        %squeeze3A_729 = vector.extract %slice3A_728[0] : f32 from vector<1xf32>
        %get3A_730 = arith.index_cast %squeeze3A_727 : i32 to index
        %get3A_731 = tpu.vector_load %arg6[%get3A_730] {strides = array<i32>} : memref<87040xf32, #tpu.memory_space<vmem>>, vector<16xf32>,
        %get3A_732 = vector.shape_cast %get3A_731 : vector<16xf32> to vector<16xf32>
        %mul3A_733 = vector.broadcast %squeeze3A_729 : f32 to vector<16xf32>
        %mul3A_734 = arith.mulf %mul3A_733, %get3A_732 : vector<16xf32>
        %add3A_735 = arith.addf %add3A_695, %mul3A_734 : vector<16xf32>
        %slice3A_736 = vector.extract_strided_slice %get3A_590 {offsets = [14], sizes = [1], strides = [1]} : vector<16xi32> to vector<1xi32>
        %squeeze3A_737 = vector.extract %slice3A_736[0] : i32 from vector<1xi32>
        %slice3A_738 = vector.extract_strided_slice %get3A_595 {offsets = [14], sizes = [1], strides = [1]} : vector<16xf32> to vector<1xf32>
        %squeeze3A_739 = vector.extract %slice3A_738[0] : f32 from vector<1xf32>
        %get3A_740 = arith.index_cast %squeeze3A_737 : i32 to index
        %get3A_741 = tpu.vector_load %arg6[%get3A_740] {strides = array<i32>} : memref<87040xf32, #tpu.memory_space<vmem>>, vector<16xf32>,
        %get3A_742 = vector.shape_cast %get3A_741 : vector<16xf32> to vector<16xf32>
        %mul3A_743 = vector.broadcast %squeeze3A_739 : f32 to vector<16xf32>
        %mul3A_744 = arith.mulf %mul3A_743, %get3A_742 : vector<16xf32>
        %add3A_745 = arith.addf %add3A_705, %mul3A_744 : vector<16xf32>
        %slice3A_746 = vector.extract_strided_slice %get3A_590 {offsets = [15], sizes = [1], strides = [1]} : vector<16xi32> to vector<1xi32>
        %squeeze3A_747 = vector.extract %slice3A_746[0] : i32 from vector<1xi32>
        %slice3A_748 = vector.extract_strided_slice %get3A_595 {offsets = [15], sizes = [1], strides = [1]} : vector<16xf32> to vector<1xf32>
        %squeeze3A_749 = vector.extract %slice3A_748[0] : f32 from vector<1xf32>
        %get3A_750 = arith.index_cast %squeeze3A_747 : i32 to index
        %get3A_751 = tpu.vector_load %arg6[%get3A_750] {strides = array<i32>} : memref<87040xf32, #tpu.memory_space<vmem>>, vector<16xf32>,
        %get3A_752 = vector.shape_cast %get3A_751 : vector<16xf32> to vector<16xf32>
        %mul3A_753 = vector.broadcast %squeeze3A_749 : f32 to vector<16xf32>
        %mul3A_754 = arith.mulf %mul3A_753, %get3A_752 : vector<16xf32>
        %add3A_755 = arith.addf %add3A_715, %mul3A_754 : vector<16xf32>
        %add3A_756 = arith.addf %add3A_725, %add3A_735 : vector<16xf32>
        %add3A_757 = arith.addf %add3A_745, %add3A_755 : vector<16xf32>
        %add3A_758 = arith.addf %add3A_756, %add3A_757 : vector<16xf32>
        %mul3A_759 = arith.constant 16 : i32
        %mul3A_760 = arith.muli %scan3A_69, %mul3A_759 : i32
        %swap3A = arith.index_cast %mul3A_760 : i32 to index
        %swap3A_761 = tpu.vector_load %arg9[%swap3A] {strides = array<i32>} : memref<2560xf32, #tpu.memory_space<vmem>>, vector<16xf32>,
        %swap3A_762 = vector.shape_cast %swap3A_761 : vector<16xf32> to vector<16xf32>
        %swap3A_763 = vector.shape_cast %add3A_758 : vector<16xf32> to vector<16xf32>
        tpu.vector_store %arg9[%swap3A], %swap3A_763 {strides = array<i32>} : memref<2560xf32, #tpu.memory_space<vmem>>, vector<16xf32>,
      }
      %scan3A_66 = arith.constant 160 : i32
      %mul3A_67 = arith.constant 2560 : i32
      %mul3A_68 = arith.muli %scan3A_58, %mul3A_67 : i32
      "tpu.region"() ({
        %run_scoped3A = tpu.sem_alloc : memref<!tpu.dma_semaphore, #tpu.memory_space<semaphore_mem>>
        %dma_start3A = tpu.memref_slice %arg5[%add3A_52, %mul3A_68] : memref<32x87040xf32, #tpu.memory_space<hbm>> -> memref<1x2560xf32, #tpu.memory_space<hbm>>
        %dma_start3A_69 = tpu.memref_squeeze %dma_start3A : memref<1x2560xf32, #tpu.memory_space<hbm>> -> memref<2560xf32, #tpu.memory_space<hbm>>
        %dma_start3A_70 = tpu.memref_slice %arg5[%add3A_52, %mul3A_68] : memref<32x87040xf32, #tpu.memory_space<hbm>> -> memref<1x2560xf32, #tpu.memory_space<hbm>>
        %dma_start3A_71 = tpu.memref_squeeze %dma_start3A_70 : memref<1x2560xf32, #tpu.memory_space<hbm>> -> memref<2560xf32, #tpu.memory_space<hbm>>
        tpu.enqueue_dma source(%arg9 : memref<2560xf32, #tpu.memory_space<vmem>>) target(%dma_start3A_71 : memref<2560xf32, #tpu.memory_space<hbm>>) target_semaphore(%run_scoped3A : memref<!tpu.dma_semaphore, #tpu.memory_space<semaphore_mem>>)
        %dma_wait3A = tpu.memref_slice %arg5[%add3A_52, %mul3A_68] : memref<32x87040xf32, #tpu.memory_space<hbm>> -> memref<1x2560xf32, #tpu.memory_space<hbm>>
        %dma_wait3A_72 = tpu.memref_squeeze %dma_wait3A : memref<1x2560xf32, #tpu.memory_space<hbm>> -> memref<2560xf32, #tpu.memory_space<hbm>>
        %dma_wait3A_73 = tpu.memref_slice %arg5[%add3A_52, %mul3A_68] : memref<32x87040xf32, #tpu.memory_space<hbm>> -> memref<1x2560xf32, #tpu.memory_space<hbm>>
        %dma_wait3A_74 = tpu.memref_squeeze %dma_wait3A_73 : memref<1x2560xf32, #tpu.memory_space<hbm>> -> memref<2560xf32, #tpu.memory_space<hbm>>
        tpu.wait_dma2 semaphore(%run_scoped3A : memref<!tpu.dma_semaphore, #tpu.memory_space<semaphore_mem>>) src(%arg9 : memref<2560xf32, #tpu.memory_space<vmem>>) dst(%dma_wait3A_74 : memref<2560xf32, #tpu.memory_space<hbm>>)
        tpu.yield
      }) : () -> ()
    }
    %scan3A_57 = arith.constant 34 : i32
    return
  }
}

module attributes {stable_mosaic.version = 14 : i64} {
  func.func @_kernel_a_body(%arg0: i32, %arg1: memref<544x256xf32, #tpu.memory_space<vmem>>, %arg2: memref<544x256xf32, #tpu.memory_space<vmem>>, %arg3: memref<544x128xf32, #tpu.memory_space<vmem>>, %arg4: memref<544x128xf32, #tpu.memory_space<vmem>>, %arg5: memref<256x256xf32, #tpu.memory_space<vmem>>, %arg6: memref<1x256xf32, #tpu.memory_space<vmem>>, %arg7: memref<256x256xf32, #tpu.memory_space<vmem>>, %arg8: memref<1x256xf32, #tpu.memory_space<vmem>>, %arg9: memref<256x128xf32, #tpu.memory_space<vmem>>, %arg10: memref<1x128xf32, #tpu.memory_space<vmem>>, %arg11: memref<8x128xf32, #tpu.memory_space<vmem>>, %arg12: memref<128x128xf32, #tpu.memory_space<vmem>>, %arg13: memref<1x8x2x544x16xf32, #tpu.memory_space<vmem>>, %arg14: memref<1x8x544x64xi32, #tpu.memory_space<vmem>>, %arg15: memref<1x8x544x64xf32, #tpu.memory_space<vmem>>) attributes {dimension_semantics = [#tpu.dimension_semantics<arbitrary>], iteration_bounds = array<i64: 20>, scalar_prefetch = 0 : i64, scratch_operands = 0 : i64, tpu.core_type = #tpu.core_type<tc>, window_params = [{transform_indices = @transform_0, window_bounds = array<i64: 544, 256>}, {transform_indices = @transform_1, window_bounds = array<i64: 544, 256>}, {transform_indices = @transform_2, window_bounds = array<i64: 544, 128>}, {transform_indices = @transform_3, window_bounds = array<i64: 544, 128>}, {pipeline_mode = #tpu.pipeline_mode<synchronous>, transform_indices = @transform_4, window_bounds = array<i64: 256, 256>}, {pipeline_mode = #tpu.pipeline_mode<synchronous>, transform_indices = @transform_5, window_bounds = array<i64: 1, 256>}, {pipeline_mode = #tpu.pipeline_mode<synchronous>, transform_indices = @transform_6, window_bounds = array<i64: 256, 256>}, {pipeline_mode = #tpu.pipeline_mode<synchronous>, transform_indices = @transform_7, window_bounds = array<i64: 1, 256>}, {pipeline_mode = #tpu.pipeline_mode<synchronous>, transform_indices = @transform_8, window_bounds = array<i64: 256, 128>}, {pipeline_mode = #tpu.pipeline_mode<synchronous>, transform_indices = @transform_9, window_bounds = array<i64: 1, 128>}, {pipeline_mode = #tpu.pipeline_mode<synchronous>, transform_indices = @transform_10, window_bounds = array<i64: 8, 128>}, {pipeline_mode = #tpu.pipeline_mode<synchronous>, transform_indices = @transform_11, window_bounds = array<i64: 128, 128>}, {transform_indices = @transform_12, window_bounds = array<i64: 1, 8, 2, 544, 16>}, {transform_indices = @transform_13, window_bounds = array<i64: 1, 8, 544, 64>}, {transform_indices = @transform_14, window_bounds = array<i64: 1, 8, 544, 64>}]} {
    %get3A = arith.constant 0 : index
    %get3A_0 = arith.constant 0 : index
    %get3A_1 = vector.load %arg1[%get3A, %get3A_0] : memref<544x256xf32, #tpu.memory_space<vmem>>, vector<544x256xf32>
    %get3A_2 = arith.constant 0 : index
    %get3A_3 = arith.constant 0 : index
    %get3A_4 = vector.load %arg2[%get3A_2, %get3A_3] : memref<544x256xf32, #tpu.memory_space<vmem>>, vector<544x256xf32>
    %get3A_5 = arith.constant 0 : index
    %get3A_6 = arith.constant 0 : index
    %get3A_7 = vector.load %arg3[%get3A_5, %get3A_6] : memref<544x128xf32, #tpu.memory_space<vmem>>, vector<544x128xf32>
    %get3A_8 = arith.constant 0 : index
    %get3A_9 = arith.constant 0 : index
    %get3A_10 = vector.load %arg4[%get3A_8, %get3A_9] : memref<544x128xf32, #tpu.memory_space<vmem>>, vector<544x128xf32>
    %get3A_11 = arith.constant 0 : index
    %get3A_12 = arith.constant 0 : index
    %get3A_13 = vector.load %arg5[%get3A_11, %get3A_12] : memref<256x256xf32, #tpu.memory_space<vmem>>, vector<256x256xf32>
    %get3A_14 = arith.constant 0 : index
    %get3A_15 = arith.constant 0 : index
    %get3A_16 = vector.load %arg6[%get3A_14, %get3A_15] : memref<1x256xf32, #tpu.memory_space<vmem>>, vector<1x256xf32>
    %get3A_17 = arith.constant 0 : index
    %get3A_18 = arith.constant 0 : index
    %get3A_19 = vector.load %arg7[%get3A_17, %get3A_18] : memref<256x256xf32, #tpu.memory_space<vmem>>, vector<256x256xf32>
    %get3A_20 = arith.constant 0 : index
    %get3A_21 = arith.constant 0 : index
    %get3A_22 = vector.load %arg8[%get3A_20, %get3A_21] : memref<1x256xf32, #tpu.memory_space<vmem>>, vector<1x256xf32>
    %get3A_23 = arith.constant 0 : index
    %get3A_24 = arith.constant 0 : index
    %get3A_25 = vector.load %arg9[%get3A_23, %get3A_24] : memref<256x128xf32, #tpu.memory_space<vmem>>, vector<256x128xf32>
    %get3A_26 = arith.constant 0 : index
    %get3A_27 = arith.constant 0 : index
    %get3A_28 = vector.load %arg10[%get3A_26, %get3A_27] : memref<1x128xf32, #tpu.memory_space<vmem>>, vector<1x128xf32>
    %get3A_29 = arith.constant 0 : index
    %get3A_30 = arith.constant 0 : index
    %get3A_31 = vector.load %arg11[%get3A_29, %get3A_30] : memref<8x128xf32, #tpu.memory_space<vmem>>, vector<8x128xf32>
    %get3A_32 = arith.constant 0 : index
    %get3A_33 = arith.constant 0 : index
    %get3A_34 = vector.load %arg12[%get3A_32, %get3A_33] : memref<128x128xf32, #tpu.memory_space<vmem>>, vector<128x128xf32>
    %dot_general3A = arith.constant dense<0.000000e+00> : vector<544x256xf32>
    %dot_general3A_35 = tpu.matmul %get3A_4, %get3A_13, %dot_general3A {dimension_numbers = #tpu.dot_dimension_numbers<[1], [0], [0], [1], [0, 0, 1, 1], [], []>, transpose_lhs_hint = false} : vector<544x256xf32>, vector<256x256xf32>, vector<544x256xf32> -> vector<544x256xf32>
    %add3A = vector.broadcast %get3A_16 : vector<1x256xf32> to vector<544x256xf32>
    %add3A_36 = arith.addf %dot_general3A_35, %add3A : vector<544x256xf32>
    %dot_general3A_37 = arith.constant dense<0.000000e+00> : vector<544x256xf32>
    %dot_general3A_38 = tpu.matmul %get3A_1, %get3A_19, %dot_general3A_37 {dimension_numbers = #tpu.dot_dimension_numbers<[1], [0], [0], [1], [0, 0, 1, 1], [], []>, transpose_lhs_hint = false} : vector<544x256xf32>, vector<256x256xf32>, vector<544x256xf32> -> vector<544x256xf32>
    %add3A_39 = vector.broadcast %get3A_22 : vector<1x256xf32> to vector<544x256xf32>
    %add3A_40 = arith.addf %dot_general3A_38, %add3A_39 : vector<544x256xf32>
    %dot_general3A_41 = arith.constant dense<0.000000e+00> : vector<544x128xf32>
    %dot_general3A_42 = tpu.matmul %get3A_1, %get3A_25, %dot_general3A_41 {dimension_numbers = #tpu.dot_dimension_numbers<[1], [0], [0], [1], [0, 0, 1, 1], [], []>, transpose_lhs_hint = false} : vector<544x256xf32>, vector<256x128xf32>, vector<544x128xf32> -> vector<544x128xf32>
    %add3A_43 = vector.broadcast %get3A_28 : vector<1x128xf32> to vector<544x128xf32>
    %add3A_44 = arith.addf %dot_general3A_42, %add3A_43 : vector<544x128xf32>
    %exp3A = math.exp %add3A_44 : vector<544x128xf32>
    %dot_general3A_45 = arith.constant dense<0.000000e+00> : vector<544x128xf32>
    %dot_general3A_46 = tpu.matmul %exp3A, %get3A_34, %dot_general3A_45 {dimension_numbers = #tpu.dot_dimension_numbers<[1], [0], [0], [1], [0, 0, 1, 1], [], []>, transpose_lhs_hint = false} : vector<544x128xf32>, vector<128x128xf32>, vector<544x128xf32> -> vector<544x128xf32>
    %div3A = arith.divf %exp3A, %dot_general3A_46 : vector<544x128xf32>
    %slice3A = vector.extract_strided_slice %get3A_31 {offsets = [0, 0], sizes = [1, 128], strides = [1, 1]} : vector<8x128xf32> to vector<1x128xf32>
    %slice3A_47 = vector.extract_strided_slice %get3A_31 {offsets = [1, 0], sizes = [1, 128], strides = [1, 1]} : vector<8x128xf32> to vector<1x128xf32>
    %slice3A_48 = vector.extract_strided_slice %get3A_31 {offsets = [2, 0], sizes = [1, 128], strides = [1, 1]} : vector<8x128xf32> to vector<1x128xf32>
    %mul3A = vector.broadcast %slice3A : vector<1x128xf32> to vector<544x128xf32>
    %mul3A_49 = arith.mulf %get3A_7, %mul3A : vector<544x128xf32>
    %slice3A_50 = vector.extract_strided_slice %add3A_40 {offsets = [0, 0], sizes = [544, 128], strides = [1, 1]} : vector<544x256xf32> to vector<544x128xf32>
    %add3A_51 = arith.addf %mul3A_49, %slice3A_50 : vector<544x128xf32>
    %sub3A = arith.constant 5.000000e-01 : f32
    %sub3A_52 = vector.broadcast %sub3A : f32 to vector<544x128xf32>
    %sub3A_53 = arith.subf %add3A_51, %sub3A_52 : vector<544x128xf32>
    %mul3A_54 = vector.broadcast %slice3A_47 : vector<1x128xf32> to vector<544x128xf32>
    %mul3A_55 = arith.mulf %get3A_10, %mul3A_54 : vector<544x128xf32>
    %slice3A_56 = vector.extract_strided_slice %add3A_40 {offsets = [0, 128], sizes = [544, 128], strides = [1, 1]} : vector<544x256xf32> to vector<544x128xf32>
    %add3A_57 = arith.addf %mul3A_55, %slice3A_56 : vector<544x128xf32>
    %sub3A_58 = arith.constant 5.000000e-01 : f32
    %sub3A_59 = vector.broadcast %sub3A_58 : f32 to vector<544x128xf32>
    %sub3A_60 = arith.subf %add3A_57, %sub3A_59 : vector<544x128xf32>
    %floor3A = math.floor %sub3A_53 : vector<544x128xf32>
    %floor3A_61 = math.floor %sub3A_60 : vector<544x128xf32>
    %sub3A_62 = arith.subf %sub3A_53, %floor3A : vector<544x128xf32>
    %sub3A_63 = arith.subf %sub3A_60, %floor3A_61 : vector<544x128xf32>
    %add3A_64 = arith.constant 0.000000e+00 : f32
    %add3A_65 = vector.broadcast %add3A_64 : f32 to vector<544x128xf32>
    %add3A_66 = arith.addf %floor3A, %add3A_65 : vector<544x128xf32>
    %add3A_67 = arith.constant 0.000000e+00 : f32
    %add3A_68 = vector.broadcast %add3A_67 : f32 to vector<544x128xf32>
    %add3A_69 = arith.addf %floor3A_61, %add3A_68 : vector<544x128xf32>
    %ge3A = arith.constant 0.000000e+00 : f32
    %ge3A_70 = vector.broadcast %ge3A : f32 to vector<544x128xf32>
    %ge3A_71 = arith.cmpf oge, %add3A_66, %ge3A_70 : vector<544x128xf32>
    %sub3A_72 = arith.constant 1.000000e+00 : f32
    %sub3A_73 = vector.broadcast %sub3A_72 : f32 to vector<1x128xf32>
    %sub3A_74 = arith.subf %slice3A, %sub3A_73 : vector<1x128xf32>
    %le3A = vector.broadcast %sub3A_74 : vector<1x128xf32> to vector<544x128xf32>
    %le3A_75 = arith.cmpf ole, %add3A_66, %le3A : vector<544x128xf32>
    %and3A = arith.andi %ge3A_71, %le3A_75 : vector<544x128xi1>
    %ge3A_76 = arith.constant 0.000000e+00 : f32
    %ge3A_77 = vector.broadcast %ge3A_76 : f32 to vector<544x128xf32>
    %ge3A_78 = arith.cmpf oge, %add3A_69, %ge3A_77 : vector<544x128xf32>
    %and3A_79 = arith.andi %and3A, %ge3A_78 : vector<544x128xi1>
    %sub3A_80 = arith.constant 1.000000e+00 : f32
    %sub3A_81 = vector.broadcast %sub3A_80 : f32 to vector<1x128xf32>
    %sub3A_82 = arith.subf %slice3A_47, %sub3A_81 : vector<1x128xf32>
    %le3A_83 = vector.broadcast %sub3A_82 : vector<1x128xf32> to vector<544x128xf32>
    %le3A_84 = arith.cmpf ole, %add3A_69, %le3A_83 : vector<544x128xf32>
    %and3A_85 = arith.andi %and3A_79, %le3A_84 : vector<544x128xi1>
    %sub3A_86 = arith.constant 1.000000e+00 : f32
    %sub3A_87 = vector.broadcast %sub3A_86 : f32 to vector<1x128xf32>
    %sub3A_88 = arith.subf %slice3A, %sub3A_87 : vector<1x128xf32>
    %jit3A = arith.constant 0.000000e+00 : f32
    %max3A = vector.broadcast %jit3A : f32 to vector<544x128xf32>
    %max3A_89 = arith.maximumf %max3A, %add3A_66 : vector<544x128xf32>
    %min3A = vector.broadcast %sub3A_88 : vector<1x128xf32> to vector<544x128xf32>
    %min3A_90 = arith.minimumf %min3A, %max3A_89 : vector<544x128xf32>
    %sub3A_91 = arith.constant 1.000000e+00 : f32
    %sub3A_92 = vector.broadcast %sub3A_91 : f32 to vector<1x128xf32>
    %sub3A_93 = arith.subf %slice3A_47, %sub3A_92 : vector<1x128xf32>
    %jit3A_94 = arith.constant 0.000000e+00 : f32
    %max3A_95 = vector.broadcast %jit3A_94 : f32 to vector<544x128xf32>
    %max3A_96 = arith.maximumf %max3A_95, %add3A_69 : vector<544x128xf32>
    %min3A_97 = vector.broadcast %sub3A_93 : vector<1x128xf32> to vector<544x128xf32>
    %min3A_98 = arith.minimumf %min3A_97, %max3A_96 : vector<544x128xf32>
    %mul3A_99 = vector.broadcast %slice3A : vector<1x128xf32> to vector<544x128xf32>
    %mul3A_100 = arith.mulf %min3A_98, %mul3A_99 : vector<544x128xf32>
    %add3A_101 = vector.broadcast %slice3A_48 : vector<1x128xf32> to vector<544x128xf32>
    %add3A_102 = arith.addf %add3A_101, %mul3A_100 : vector<544x128xf32>
    %add3A_103 = arith.addf %add3A_102, %min3A_90 : vector<544x128xf32>
    %mul3A_104 = arith.constant 1.600000e+01 : f32
    %mul3A_105 = vector.broadcast %mul3A_104 : f32 to vector<544x128xf32>
    %mul3A_106 = arith.mulf %add3A_103, %mul3A_105 : vector<544x128xf32>
    %sub3A_107 = arith.constant 1.000000e+00 : f32
    %sub3A_108 = vector.broadcast %sub3A_107 : f32 to vector<544x128xf32>
    %sub3A_109 = arith.subf %sub3A_108, %sub3A_62 : vector<544x128xf32>
    %sub3A_110 = arith.constant 1.000000e+00 : f32
    %sub3A_111 = vector.broadcast %sub3A_110 : f32 to vector<544x128xf32>
    %sub3A_112 = arith.subf %sub3A_111, %sub3A_63 : vector<544x128xf32>
    %mul3A_113 = arith.mulf %sub3A_109, %sub3A_112 : vector<544x128xf32>
    %mul3A_114 = arith.mulf %mul3A_113, %div3A : vector<544x128xf32>
    %convert_element_type3A = arith.extui %and3A_85 : vector<544x128xi1> to vector<544x128xi32>
    %convert_element_type3A_115 = arith.sitofp %convert_element_type3A : vector<544x128xi32> to vector<544x128xf32>
    %mul3A_116 = arith.mulf %mul3A_114, %convert_element_type3A_115 : vector<544x128xf32>
    %convert_element_type3A_117 = arith.fptosi %mul3A_106 : vector<544x128xf32> to vector<544x128xi32>
    %add3A_118 = arith.constant 1.000000e+00 : f32
    %add3A_119 = vector.broadcast %add3A_118 : f32 to vector<544x128xf32>
    %add3A_120 = arith.addf %floor3A, %add3A_119 : vector<544x128xf32>
    %add3A_121 = arith.constant 0.000000e+00 : f32
    %add3A_122 = vector.broadcast %add3A_121 : f32 to vector<544x128xf32>
    %add3A_123 = arith.addf %floor3A_61, %add3A_122 : vector<544x128xf32>
    %ge3A_124 = arith.constant 0.000000e+00 : f32
    %ge3A_125 = vector.broadcast %ge3A_124 : f32 to vector<544x128xf32>
    %ge3A_126 = arith.cmpf oge, %add3A_120, %ge3A_125 : vector<544x128xf32>
    %sub3A_127 = arith.constant 1.000000e+00 : f32
    %sub3A_128 = vector.broadcast %sub3A_127 : f32 to vector<1x128xf32>
    %sub3A_129 = arith.subf %slice3A, %sub3A_128 : vector<1x128xf32>
    %le3A_130 = vector.broadcast %sub3A_129 : vector<1x128xf32> to vector<544x128xf32>
    %le3A_131 = arith.cmpf ole, %add3A_120, %le3A_130 : vector<544x128xf32>
    %and3A_132 = arith.andi %ge3A_126, %le3A_131 : vector<544x128xi1>
    %ge3A_133 = arith.constant 0.000000e+00 : f32
    %ge3A_134 = vector.broadcast %ge3A_133 : f32 to vector<544x128xf32>
    %ge3A_135 = arith.cmpf oge, %add3A_123, %ge3A_134 : vector<544x128xf32>
    %and3A_136 = arith.andi %and3A_132, %ge3A_135 : vector<544x128xi1>
    %sub3A_137 = arith.constant 1.000000e+00 : f32
    %sub3A_138 = vector.broadcast %sub3A_137 : f32 to vector<1x128xf32>
    %sub3A_139 = arith.subf %slice3A_47, %sub3A_138 : vector<1x128xf32>
    %le3A_140 = vector.broadcast %sub3A_139 : vector<1x128xf32> to vector<544x128xf32>
    %le3A_141 = arith.cmpf ole, %add3A_123, %le3A_140 : vector<544x128xf32>
    %and3A_142 = arith.andi %and3A_136, %le3A_141 : vector<544x128xi1>
    %sub3A_143 = arith.constant 1.000000e+00 : f32
    %sub3A_144 = vector.broadcast %sub3A_143 : f32 to vector<1x128xf32>
    %sub3A_145 = arith.subf %slice3A, %sub3A_144 : vector<1x128xf32>
    %jit3A_146 = arith.constant 0.000000e+00 : f32
    %max3A_147 = vector.broadcast %jit3A_146 : f32 to vector<544x128xf32>
    %max3A_148 = arith.maximumf %max3A_147, %add3A_120 : vector<544x128xf32>
    %min3A_149 = vector.broadcast %sub3A_145 : vector<1x128xf32> to vector<544x128xf32>
    %min3A_150 = arith.minimumf %min3A_149, %max3A_148 : vector<544x128xf32>
    %sub3A_151 = arith.constant 1.000000e+00 : f32
    %sub3A_152 = vector.broadcast %sub3A_151 : f32 to vector<1x128xf32>
    %sub3A_153 = arith.subf %slice3A_47, %sub3A_152 : vector<1x128xf32>
    %jit3A_154 = arith.constant 0.000000e+00 : f32
    %max3A_155 = vector.broadcast %jit3A_154 : f32 to vector<544x128xf32>
    %max3A_156 = arith.maximumf %max3A_155, %add3A_123 : vector<544x128xf32>
    %min3A_157 = vector.broadcast %sub3A_153 : vector<1x128xf32> to vector<544x128xf32>
    %min3A_158 = arith.minimumf %min3A_157, %max3A_156 : vector<544x128xf32>
    %mul3A_159 = vector.broadcast %slice3A : vector<1x128xf32> to vector<544x128xf32>
    %mul3A_160 = arith.mulf %min3A_158, %mul3A_159 : vector<544x128xf32>
    %add3A_161 = vector.broadcast %slice3A_48 : vector<1x128xf32> to vector<544x128xf32>
    %add3A_162 = arith.addf %add3A_161, %mul3A_160 : vector<544x128xf32>
    %add3A_163 = arith.addf %add3A_162, %min3A_150 : vector<544x128xf32>
    %mul3A_164 = arith.constant 1.600000e+01 : f32
    %mul3A_165 = vector.broadcast %mul3A_164 : f32 to vector<544x128xf32>
    %mul3A_166 = arith.mulf %add3A_163, %mul3A_165 : vector<544x128xf32>
    %sub3A_167 = arith.constant 1.000000e+00 : f32
    %sub3A_168 = vector.broadcast %sub3A_167 : f32 to vector<544x128xf32>
    %sub3A_169 = arith.subf %sub3A_168, %sub3A_63 : vector<544x128xf32>
    %mul3A_170 = arith.mulf %sub3A_62, %sub3A_169 : vector<544x128xf32>
    %mul3A_171 = arith.mulf %mul3A_170, %div3A : vector<544x128xf32>
    %convert_element_type3A_172 = arith.extui %and3A_142 : vector<544x128xi1> to vector<544x128xi32>
    %convert_element_type3A_173 = arith.sitofp %convert_element_type3A_172 : vector<544x128xi32> to vector<544x128xf32>
    %mul3A_174 = arith.mulf %mul3A_171, %convert_element_type3A_173 : vector<544x128xf32>
    %convert_element_type3A_175 = arith.fptosi %mul3A_166 : vector<544x128xf32> to vector<544x128xi32>
    %add3A_176 = arith.constant 0.000000e+00 : f32
    %add3A_177 = vector.broadcast %add3A_176 : f32 to vector<544x128xf32>
    %add3A_178 = arith.addf %floor3A, %add3A_177 : vector<544x128xf32>
    %add3A_179 = arith.constant 1.000000e+00 : f32
    %add3A_180 = vector.broadcast %add3A_179 : f32 to vector<544x128xf32>
    %add3A_181 = arith.addf %floor3A_61, %add3A_180 : vector<544x128xf32>
    %ge3A_182 = arith.constant 0.000000e+00 : f32
    %ge3A_183 = vector.broadcast %ge3A_182 : f32 to vector<544x128xf32>
    %ge3A_184 = arith.cmpf oge, %add3A_178, %ge3A_183 : vector<544x128xf32>
    %sub3A_185 = arith.constant 1.000000e+00 : f32
    %sub3A_186 = vector.broadcast %sub3A_185 : f32 to vector<1x128xf32>
    %sub3A_187 = arith.subf %slice3A, %sub3A_186 : vector<1x128xf32>
    %le3A_188 = vector.broadcast %sub3A_187 : vector<1x128xf32> to vector<544x128xf32>
    %le3A_189 = arith.cmpf ole, %add3A_178, %le3A_188 : vector<544x128xf32>
    %and3A_190 = arith.andi %ge3A_184, %le3A_189 : vector<544x128xi1>
    %ge3A_191 = arith.constant 0.000000e+00 : f32
    %ge3A_192 = vector.broadcast %ge3A_191 : f32 to vector<544x128xf32>
    %ge3A_193 = arith.cmpf oge, %add3A_181, %ge3A_192 : vector<544x128xf32>
    %and3A_194 = arith.andi %and3A_190, %ge3A_193 : vector<544x128xi1>
    %sub3A_195 = arith.constant 1.000000e+00 : f32
    %sub3A_196 = vector.broadcast %sub3A_195 : f32 to vector<1x128xf32>
    %sub3A_197 = arith.subf %slice3A_47, %sub3A_196 : vector<1x128xf32>
    %le3A_198 = vector.broadcast %sub3A_197 : vector<1x128xf32> to vector<544x128xf32>
    %le3A_199 = arith.cmpf ole, %add3A_181, %le3A_198 : vector<544x128xf32>
    %and3A_200 = arith.andi %and3A_194, %le3A_199 : vector<544x128xi1>
    %sub3A_201 = arith.constant 1.000000e+00 : f32
    %sub3A_202 = vector.broadcast %sub3A_201 : f32 to vector<1x128xf32>
    %sub3A_203 = arith.subf %slice3A, %sub3A_202 : vector<1x128xf32>
    %jit3A_204 = arith.constant 0.000000e+00 : f32
    %max3A_205 = vector.broadcast %jit3A_204 : f32 to vector<544x128xf32>
    %max3A_206 = arith.maximumf %max3A_205, %add3A_178 : vector<544x128xf32>
    %min3A_207 = vector.broadcast %sub3A_203 : vector<1x128xf32> to vector<544x128xf32>
    %min3A_208 = arith.minimumf %min3A_207, %max3A_206 : vector<544x128xf32>
    %sub3A_209 = arith.constant 1.000000e+00 : f32
    %sub3A_210 = vector.broadcast %sub3A_209 : f32 to vector<1x128xf32>
    %sub3A_211 = arith.subf %slice3A_47, %sub3A_210 : vector<1x128xf32>
    %jit3A_212 = arith.constant 0.000000e+00 : f32
    %max3A_213 = vector.broadcast %jit3A_212 : f32 to vector<544x128xf32>
    %max3A_214 = arith.maximumf %max3A_213, %add3A_181 : vector<544x128xf32>
    %min3A_215 = vector.broadcast %sub3A_211 : vector<1x128xf32> to vector<544x128xf32>
    %min3A_216 = arith.minimumf %min3A_215, %max3A_214 : vector<544x128xf32>
    %mul3A_217 = vector.broadcast %slice3A : vector<1x128xf32> to vector<544x128xf32>
    %mul3A_218 = arith.mulf %min3A_216, %mul3A_217 : vector<544x128xf32>
    %add3A_219 = vector.broadcast %slice3A_48 : vector<1x128xf32> to vector<544x128xf32>
    %add3A_220 = arith.addf %add3A_219, %mul3A_218 : vector<544x128xf32>
    %add3A_221 = arith.addf %add3A_220, %min3A_208 : vector<544x128xf32>
    %mul3A_222 = arith.constant 1.600000e+01 : f32
    %mul3A_223 = vector.broadcast %mul3A_222 : f32 to vector<544x128xf32>
    %mul3A_224 = arith.mulf %add3A_221, %mul3A_223 : vector<544x128xf32>
    %sub3A_225 = arith.constant 1.000000e+00 : f32
    %sub3A_226 = vector.broadcast %sub3A_225 : f32 to vector<544x128xf32>
    %sub3A_227 = arith.subf %sub3A_226, %sub3A_62 : vector<544x128xf32>
    %mul3A_228 = arith.mulf %sub3A_227, %sub3A_63 : vector<544x128xf32>
    %mul3A_229 = arith.mulf %mul3A_228, %div3A : vector<544x128xf32>
    %convert_element_type3A_230 = arith.extui %and3A_200 : vector<544x128xi1> to vector<544x128xi32>
    %convert_element_type3A_231 = arith.sitofp %convert_element_type3A_230 : vector<544x128xi32> to vector<544x128xf32>
    %mul3A_232 = arith.mulf %mul3A_229, %convert_element_type3A_231 : vector<544x128xf32>
    %convert_element_type3A_233 = arith.fptosi %mul3A_224 : vector<544x128xf32> to vector<544x128xi32>
    %add3A_234 = arith.constant 1.000000e+00 : f32
    %add3A_235 = vector.broadcast %add3A_234 : f32 to vector<544x128xf32>
    %add3A_236 = arith.addf %floor3A, %add3A_235 : vector<544x128xf32>
    %add3A_237 = arith.constant 1.000000e+00 : f32
    %add3A_238 = vector.broadcast %add3A_237 : f32 to vector<544x128xf32>
    %add3A_239 = arith.addf %floor3A_61, %add3A_238 : vector<544x128xf32>
    %ge3A_240 = arith.constant 0.000000e+00 : f32
    %ge3A_241 = vector.broadcast %ge3A_240 : f32 to vector<544x128xf32>
    %ge3A_242 = arith.cmpf oge, %add3A_236, %ge3A_241 : vector<544x128xf32>
    %sub3A_243 = arith.constant 1.000000e+00 : f32
    %sub3A_244 = vector.broadcast %sub3A_243 : f32 to vector<1x128xf32>
    %sub3A_245 = arith.subf %slice3A, %sub3A_244 : vector<1x128xf32>
    %le3A_246 = vector.broadcast %sub3A_245 : vector<1x128xf32> to vector<544x128xf32>
    %le3A_247 = arith.cmpf ole, %add3A_236, %le3A_246 : vector<544x128xf32>
    %and3A_248 = arith.andi %ge3A_242, %le3A_247 : vector<544x128xi1>
    %ge3A_249 = arith.constant 0.000000e+00 : f32
    %ge3A_250 = vector.broadcast %ge3A_249 : f32 to vector<544x128xf32>
    %ge3A_251 = arith.cmpf oge, %add3A_239, %ge3A_250 : vector<544x128xf32>
    %and3A_252 = arith.andi %and3A_248, %ge3A_251 : vector<544x128xi1>
    %sub3A_253 = arith.constant 1.000000e+00 : f32
    %sub3A_254 = vector.broadcast %sub3A_253 : f32 to vector<1x128xf32>
    %sub3A_255 = arith.subf %slice3A_47, %sub3A_254 : vector<1x128xf32>
    %le3A_256 = vector.broadcast %sub3A_255 : vector<1x128xf32> to vector<544x128xf32>
    %le3A_257 = arith.cmpf ole, %add3A_239, %le3A_256 : vector<544x128xf32>
    %and3A_258 = arith.andi %and3A_252, %le3A_257 : vector<544x128xi1>
    %sub3A_259 = arith.constant 1.000000e+00 : f32
    %sub3A_260 = vector.broadcast %sub3A_259 : f32 to vector<1x128xf32>
    %sub3A_261 = arith.subf %slice3A, %sub3A_260 : vector<1x128xf32>
    %jit3A_262 = arith.constant 0.000000e+00 : f32
    %max3A_263 = vector.broadcast %jit3A_262 : f32 to vector<544x128xf32>
    %max3A_264 = arith.maximumf %max3A_263, %add3A_236 : vector<544x128xf32>
    %min3A_265 = vector.broadcast %sub3A_261 : vector<1x128xf32> to vector<544x128xf32>
    %min3A_266 = arith.minimumf %min3A_265, %max3A_264 : vector<544x128xf32>
    %sub3A_267 = arith.constant 1.000000e+00 : f32
    %sub3A_268 = vector.broadcast %sub3A_267 : f32 to vector<1x128xf32>
    %sub3A_269 = arith.subf %slice3A_47, %sub3A_268 : vector<1x128xf32>
    %jit3A_270 = arith.constant 0.000000e+00 : f32
    %max3A_271 = vector.broadcast %jit3A_270 : f32 to vector<544x128xf32>
    %max3A_272 = arith.maximumf %max3A_271, %add3A_239 : vector<544x128xf32>
    %min3A_273 = vector.broadcast %sub3A_269 : vector<1x128xf32> to vector<544x128xf32>
    %min3A_274 = arith.minimumf %min3A_273, %max3A_272 : vector<544x128xf32>
    %mul3A_275 = vector.broadcast %slice3A : vector<1x128xf32> to vector<544x128xf32>
    %mul3A_276 = arith.mulf %min3A_274, %mul3A_275 : vector<544x128xf32>
    %add3A_277 = vector.broadcast %slice3A_48 : vector<1x128xf32> to vector<544x128xf32>
    %add3A_278 = arith.addf %add3A_277, %mul3A_276 : vector<544x128xf32>
    %add3A_279 = arith.addf %add3A_278, %min3A_266 : vector<544x128xf32>
    %mul3A_280 = arith.constant 1.600000e+01 : f32
    %mul3A_281 = vector.broadcast %mul3A_280 : f32 to vector<544x128xf32>
    %mul3A_282 = arith.mulf %add3A_279, %mul3A_281 : vector<544x128xf32>
    %mul3A_283 = arith.mulf %sub3A_62, %sub3A_63 : vector<544x128xf32>
    %mul3A_284 = arith.mulf %mul3A_283, %div3A : vector<544x128xf32>
    %convert_element_type3A_285 = arith.extui %and3A_258 : vector<544x128xi1> to vector<544x128xi32>
    %convert_element_type3A_286 = arith.sitofp %convert_element_type3A_285 : vector<544x128xi32> to vector<544x128xf32>
    %mul3A_287 = arith.mulf %mul3A_284, %convert_element_type3A_286 : vector<544x128xf32>
    %convert_element_type3A_288 = arith.fptosi %mul3A_282 : vector<544x128xf32> to vector<544x128xi32>
    %concatenate3A = tpu.concatenate %convert_element_type3A_117, %convert_element_type3A_175, %convert_element_type3A_233, %convert_element_type3A_288 in 1 : vector<544x128xi32>, vector<544x128xi32>, vector<544x128xi32>, vector<544x128xi32> -> vector<544x512xi32>
    %concatenate3A_289 = tpu.concatenate %mul3A_116, %mul3A_174, %mul3A_232, %mul3A_287 in 1 : vector<544x128xf32>, vector<544x128xf32>, vector<544x128xf32>, vector<544x128xf32> -> vector<544x512xf32>
    %slice3A_290 = vector.extract_strided_slice %add3A_36 {offsets = [0, 0], sizes = [544, 16], strides = [1, 1]} : vector<544x256xf32> to vector<544x16xf32>
    %swap3A = arith.constant 0 : index
    %swap3A_291 = arith.constant 0 : index
    %swap3A_292 = arith.constant 0 : index
    %swap3A_293 = arith.constant 0 : index
    %swap3A_294 = arith.constant 0 : index
    %swap3A_295 = vector.load %arg13[%swap3A, %swap3A_291, %swap3A_292, %swap3A_293, %swap3A_294] : memref<1x8x2x544x16xf32, #tpu.memory_space<vmem>>, vector<1x1x1x544x16xf32>
    %swap3A_296 = vector.shape_cast %swap3A_295 : vector<1x1x1x544x16xf32> to vector<544x16xf32>
    %swap3A_297 = vector.shape_cast %slice3A_290 : vector<544x16xf32> to vector<1x1x1x544x16xf32>
    tpu.vector_store %arg13[%swap3A, %swap3A_291, %swap3A_292, %swap3A_293, %swap3A_294], %swap3A_297 {strides = array<i32>} : memref<1x8x2x544x16xf32, #tpu.memory_space<vmem>>, vector<1x1x1x544x16xf32>,
    %slice3A_298 = vector.extract_strided_slice %add3A_36 {offsets = [0, 16], sizes = [544, 16], strides = [1, 1]} : vector<544x256xf32> to vector<544x16xf32>
    %swap3A_299 = arith.constant 0 : index
    %swap3A_300 = arith.constant 0 : index
    %swap3A_301 = arith.constant 1 : index
    %swap3A_302 = arith.constant 0 : index
    %swap3A_303 = arith.constant 0 : index
    %swap3A_304 = vector.load %arg13[%swap3A_299, %swap3A_300, %swap3A_301, %swap3A_302, %swap3A_303] : memref<1x8x2x544x16xf32, #tpu.memory_space<vmem>>, vector<1x1x1x544x16xf32>
    %swap3A_305 = vector.shape_cast %swap3A_304 : vector<1x1x1x544x16xf32> to vector<544x16xf32>
    %swap3A_306 = vector.shape_cast %slice3A_298 : vector<544x16xf32> to vector<1x1x1x544x16xf32>
    tpu.vector_store %arg13[%swap3A_299, %swap3A_300, %swap3A_301, %swap3A_302, %swap3A_303], %swap3A_306 {strides = array<i32>} : memref<1x8x2x544x16xf32, #tpu.memory_space<vmem>>, vector<1x1x1x544x16xf32>,
    %slice3A_307 = vector.extract_strided_slice %concatenate3A {offsets = [0, 0], sizes = [544, 16], strides = [1, 1]} : vector<544x512xi32> to vector<544x16xi32>
    %slice3A_308 = vector.extract_strided_slice %concatenate3A {offsets = [0, 128], sizes = [544, 16], strides = [1, 1]} : vector<544x512xi32> to vector<544x16xi32>
    %slice3A_309 = vector.extract_strided_slice %concatenate3A {offsets = [0, 256], sizes = [544, 16], strides = [1, 1]} : vector<544x512xi32> to vector<544x16xi32>
    %slice3A_310 = vector.extract_strided_slice %concatenate3A {offsets = [0, 384], sizes = [544, 16], strides = [1, 1]} : vector<544x512xi32> to vector<544x16xi32>
    %concatenate3A_311 = tpu.concatenate %slice3A_307, %slice3A_308, %slice3A_309, %slice3A_310 in 1 : vector<544x16xi32>, vector<544x16xi32>, vector<544x16xi32>, vector<544x16xi32> -> vector<544x64xi32>
    %swap3A_312 = arith.constant 0 : index
    %swap3A_313 = arith.constant 0 : index
    %swap3A_314 = arith.constant 0 : index
    %swap3A_315 = arith.constant 0 : index
    %swap3A_316 = vector.load %arg14[%swap3A_312, %swap3A_313, %swap3A_314, %swap3A_315] : memref<1x8x544x64xi32, #tpu.memory_space<vmem>>, vector<1x1x544x64xi32>
    %swap3A_317 = vector.shape_cast %swap3A_316 : vector<1x1x544x64xi32> to vector<544x64xi32>
    %swap3A_318 = vector.shape_cast %concatenate3A_311 : vector<544x64xi32> to vector<1x1x544x64xi32>
    tpu.vector_store %arg14[%swap3A_312, %swap3A_313, %swap3A_314, %swap3A_315], %swap3A_318 {strides = array<i32>} : memref<1x8x544x64xi32, #tpu.memory_space<vmem>>, vector<1x1x544x64xi32>,
    %slice3A_319 = vector.extract_strided_slice %concatenate3A_289 {offsets = [0, 0], sizes = [544, 16], strides = [1, 1]} : vector<544x512xf32> to vector<544x16xf32>
    %slice3A_320 = vector.extract_strided_slice %concatenate3A_289 {offsets = [0, 128], sizes = [544, 16], strides = [1, 1]} : vector<544x512xf32> to vector<544x16xf32>
    %slice3A_321 = vector.extract_strided_slice %concatenate3A_289 {offsets = [0, 256], sizes = [544, 16], strides = [1, 1]} : vector<544x512xf32> to vector<544x16xf32>
    %slice3A_322 = vector.extract_strided_slice %concatenate3A_289 {offsets = [0, 384], sizes = [544, 16], strides = [1, 1]} : vector<544x512xf32> to vector<544x16xf32>
    %concatenate3A_323 = tpu.concatenate %slice3A_319, %slice3A_320, %slice3A_321, %slice3A_322 in 1 : vector<544x16xf32>, vector<544x16xf32>, vector<544x16xf32>, vector<544x16xf32> -> vector<544x64xf32>
    %swap3A_324 = arith.constant 0 : index
    %swap3A_325 = arith.constant 0 : index
    %swap3A_326 = arith.constant 0 : index
    %swap3A_327 = arith.constant 0 : index
    %swap3A_328 = vector.load %arg15[%swap3A_324, %swap3A_325, %swap3A_326, %swap3A_327] : memref<1x8x544x64xf32, #tpu.memory_space<vmem>>, vector<1x1x544x64xf32>
    %swap3A_329 = vector.shape_cast %swap3A_328 : vector<1x1x544x64xf32> to vector<544x64xf32>
    %swap3A_330 = vector.shape_cast %concatenate3A_323 : vector<544x64xf32> to vector<1x1x544x64xf32>
    tpu.vector_store %arg15[%swap3A_324, %swap3A_325, %swap3A_326, %swap3A_327], %swap3A_330 {strides = array<i32>} : memref<1x8x544x64xf32, #tpu.memory_space<vmem>>, vector<1x1x544x64xf32>,
    %slice3A_331 = vector.extract_strided_slice %add3A_36 {offsets = [0, 32], sizes = [544, 16], strides = [1, 1]} : vector<544x256xf32> to vector<544x16xf32>
    %swap3A_332 = arith.constant 0 : index
    %swap3A_333 = arith.constant 1 : index
    %swap3A_334 = arith.constant 0 : index
    %swap3A_335 = arith.constant 0 : index
    %swap3A_336 = arith.constant 0 : index
    %swap3A_337 = vector.load %arg13[%swap3A_332, %swap3A_333, %swap3A_334, %swap3A_335, %swap3A_336] : memref<1x8x2x544x16xf32, #tpu.memory_space<vmem>>, vector<1x1x1x544x16xf32>
    %swap3A_338 = vector.shape_cast %swap3A_337 : vector<1x1x1x544x16xf32> to vector<544x16xf32>
    %swap3A_339 = vector.shape_cast %slice3A_331 : vector<544x16xf32> to vector<1x1x1x544x16xf32>
    tpu.vector_store %arg13[%swap3A_332, %swap3A_333, %swap3A_334, %swap3A_335, %swap3A_336], %swap3A_339 {strides = array<i32>} : memref<1x8x2x544x16xf32, #tpu.memory_space<vmem>>, vector<1x1x1x544x16xf32>,
    %slice3A_340 = vector.extract_strided_slice %add3A_36 {offsets = [0, 48], sizes = [544, 16], strides = [1, 1]} : vector<544x256xf32> to vector<544x16xf32>
    %swap3A_341 = arith.constant 0 : index
    %swap3A_342 = arith.constant 1 : index
    %swap3A_343 = arith.constant 1 : index
    %swap3A_344 = arith.constant 0 : index
    %swap3A_345 = arith.constant 0 : index
    %swap3A_346 = vector.load %arg13[%swap3A_341, %swap3A_342, %swap3A_343, %swap3A_344, %swap3A_345] : memref<1x8x2x544x16xf32, #tpu.memory_space<vmem>>, vector<1x1x1x544x16xf32>
    %swap3A_347 = vector.shape_cast %swap3A_346 : vector<1x1x1x544x16xf32> to vector<544x16xf32>
    %swap3A_348 = vector.shape_cast %slice3A_340 : vector<544x16xf32> to vector<1x1x1x544x16xf32>
    tpu.vector_store %arg13[%swap3A_341, %swap3A_342, %swap3A_343, %swap3A_344, %swap3A_345], %swap3A_348 {strides = array<i32>} : memref<1x8x2x544x16xf32, #tpu.memory_space<vmem>>, vector<1x1x1x544x16xf32>,
    %slice3A_349 = vector.extract_strided_slice %concatenate3A {offsets = [0, 16], sizes = [544, 16], strides = [1, 1]} : vector<544x512xi32> to vector<544x16xi32>
    %slice3A_350 = vector.extract_strided_slice %concatenate3A {offsets = [0, 144], sizes = [544, 16], strides = [1, 1]} : vector<544x512xi32> to vector<544x16xi32>
    %slice3A_351 = vector.extract_strided_slice %concatenate3A {offsets = [0, 272], sizes = [544, 16], strides = [1, 1]} : vector<544x512xi32> to vector<544x16xi32>
    %slice3A_352 = vector.extract_strided_slice %concatenate3A {offsets = [0, 400], sizes = [544, 16], strides = [1, 1]} : vector<544x512xi32> to vector<544x16xi32>
    %concatenate3A_353 = tpu.concatenate %slice3A_349, %slice3A_350, %slice3A_351, %slice3A_352 in 1 : vector<544x16xi32>, vector<544x16xi32>, vector<544x16xi32>, vector<544x16xi32> -> vector<544x64xi32>
    %swap3A_354 = arith.constant 0 : index
    %swap3A_355 = arith.constant 1 : index
    %swap3A_356 = arith.constant 0 : index
    %swap3A_357 = arith.constant 0 : index
    %swap3A_358 = vector.load %arg14[%swap3A_354, %swap3A_355, %swap3A_356, %swap3A_357] : memref<1x8x544x64xi32, #tpu.memory_space<vmem>>, vector<1x1x544x64xi32>
    %swap3A_359 = vector.shape_cast %swap3A_358 : vector<1x1x544x64xi32> to vector<544x64xi32>
    %swap3A_360 = vector.shape_cast %concatenate3A_353 : vector<544x64xi32> to vector<1x1x544x64xi32>
    tpu.vector_store %arg14[%swap3A_354, %swap3A_355, %swap3A_356, %swap3A_357], %swap3A_360 {strides = array<i32>} : memref<1x8x544x64xi32, #tpu.memory_space<vmem>>, vector<1x1x544x64xi32>,
    %slice3A_361 = vector.extract_strided_slice %concatenate3A_289 {offsets = [0, 16], sizes = [544, 16], strides = [1, 1]} : vector<544x512xf32> to vector<544x16xf32>
    %slice3A_362 = vector.extract_strided_slice %concatenate3A_289 {offsets = [0, 144], sizes = [544, 16], strides = [1, 1]} : vector<544x512xf32> to vector<544x16xf32>
    %slice3A_363 = vector.extract_strided_slice %concatenate3A_289 {offsets = [0, 272], sizes = [544, 16], strides = [1, 1]} : vector<544x512xf32> to vector<544x16xf32>
    %slice3A_364 = vector.extract_strided_slice %concatenate3A_289 {offsets = [0, 400], sizes = [544, 16], strides = [1, 1]} : vector<544x512xf32> to vector<544x16xf32>
    %concatenate3A_365 = tpu.concatenate %slice3A_361, %slice3A_362, %slice3A_363, %slice3A_364 in 1 : vector<544x16xf32>, vector<544x16xf32>, vector<544x16xf32>, vector<544x16xf32> -> vector<544x64xf32>
    %swap3A_366 = arith.constant 0 : index
    %swap3A_367 = arith.constant 1 : index
    %swap3A_368 = arith.constant 0 : index
    %swap3A_369 = arith.constant 0 : index
    %swap3A_370 = vector.load %arg15[%swap3A_366, %swap3A_367, %swap3A_368, %swap3A_369] : memref<1x8x544x64xf32, #tpu.memory_space<vmem>>, vector<1x1x544x64xf32>
    %swap3A_371 = vector.shape_cast %swap3A_370 : vector<1x1x544x64xf32> to vector<544x64xf32>
    %swap3A_372 = vector.shape_cast %concatenate3A_365 : vector<544x64xf32> to vector<1x1x544x64xf32>
    tpu.vector_store %arg15[%swap3A_366, %swap3A_367, %swap3A_368, %swap3A_369], %swap3A_372 {strides = array<i32>} : memref<1x8x544x64xf32, #tpu.memory_space<vmem>>, vector<1x1x544x64xf32>,
    %slice3A_373 = vector.extract_strided_slice %add3A_36 {offsets = [0, 64], sizes = [544, 16], strides = [1, 1]} : vector<544x256xf32> to vector<544x16xf32>
    %swap3A_374 = arith.constant 0 : index
    %swap3A_375 = arith.constant 2 : index
    %swap3A_376 = arith.constant 0 : index
    %swap3A_377 = arith.constant 0 : index
    %swap3A_378 = arith.constant 0 : index
    %swap3A_379 = vector.load %arg13[%swap3A_374, %swap3A_375, %swap3A_376, %swap3A_377, %swap3A_378] : memref<1x8x2x544x16xf32, #tpu.memory_space<vmem>>, vector<1x1x1x544x16xf32>
    %swap3A_380 = vector.shape_cast %swap3A_379 : vector<1x1x1x544x16xf32> to vector<544x16xf32>
    %swap3A_381 = vector.shape_cast %slice3A_373 : vector<544x16xf32> to vector<1x1x1x544x16xf32>
    tpu.vector_store %arg13[%swap3A_374, %swap3A_375, %swap3A_376, %swap3A_377, %swap3A_378], %swap3A_381 {strides = array<i32>} : memref<1x8x2x544x16xf32, #tpu.memory_space<vmem>>, vector<1x1x1x544x16xf32>,
    %slice3A_382 = vector.extract_strided_slice %add3A_36 {offsets = [0, 80], sizes = [544, 16], strides = [1, 1]} : vector<544x256xf32> to vector<544x16xf32>
    %swap3A_383 = arith.constant 0 : index
    %swap3A_384 = arith.constant 2 : index
    %swap3A_385 = arith.constant 1 : index
    %swap3A_386 = arith.constant 0 : index
    %swap3A_387 = arith.constant 0 : index
    %swap3A_388 = vector.load %arg13[%swap3A_383, %swap3A_384, %swap3A_385, %swap3A_386, %swap3A_387] : memref<1x8x2x544x16xf32, #tpu.memory_space<vmem>>, vector<1x1x1x544x16xf32>
    %swap3A_389 = vector.shape_cast %swap3A_388 : vector<1x1x1x544x16xf32> to vector<544x16xf32>
    %swap3A_390 = vector.shape_cast %slice3A_382 : vector<544x16xf32> to vector<1x1x1x544x16xf32>
    tpu.vector_store %arg13[%swap3A_383, %swap3A_384, %swap3A_385, %swap3A_386, %swap3A_387], %swap3A_390 {strides = array<i32>} : memref<1x8x2x544x16xf32, #tpu.memory_space<vmem>>, vector<1x1x1x544x16xf32>,
    %slice3A_391 = vector.extract_strided_slice %concatenate3A {offsets = [0, 32], sizes = [544, 16], strides = [1, 1]} : vector<544x512xi32> to vector<544x16xi32>
    %slice3A_392 = vector.extract_strided_slice %concatenate3A {offsets = [0, 160], sizes = [544, 16], strides = [1, 1]} : vector<544x512xi32> to vector<544x16xi32>
    %slice3A_393 = vector.extract_strided_slice %concatenate3A {offsets = [0, 288], sizes = [544, 16], strides = [1, 1]} : vector<544x512xi32> to vector<544x16xi32>
    %slice3A_394 = vector.extract_strided_slice %concatenate3A {offsets = [0, 416], sizes = [544, 16], strides = [1, 1]} : vector<544x512xi32> to vector<544x16xi32>
    %concatenate3A_395 = tpu.concatenate %slice3A_391, %slice3A_392, %slice3A_393, %slice3A_394 in 1 : vector<544x16xi32>, vector<544x16xi32>, vector<544x16xi32>, vector<544x16xi32> -> vector<544x64xi32>
    %swap3A_396 = arith.constant 0 : index
    %swap3A_397 = arith.constant 2 : index
    %swap3A_398 = arith.constant 0 : index
    %swap3A_399 = arith.constant 0 : index
    %swap3A_400 = vector.load %arg14[%swap3A_396, %swap3A_397, %swap3A_398, %swap3A_399] : memref<1x8x544x64xi32, #tpu.memory_space<vmem>>, vector<1x1x544x64xi32>
    %swap3A_401 = vector.shape_cast %swap3A_400 : vector<1x1x544x64xi32> to vector<544x64xi32>
    %swap3A_402 = vector.shape_cast %concatenate3A_395 : vector<544x64xi32> to vector<1x1x544x64xi32>
    tpu.vector_store %arg14[%swap3A_396, %swap3A_397, %swap3A_398, %swap3A_399], %swap3A_402 {strides = array<i32>} : memref<1x8x544x64xi32, #tpu.memory_space<vmem>>, vector<1x1x544x64xi32>,
    %slice3A_403 = vector.extract_strided_slice %concatenate3A_289 {offsets = [0, 32], sizes = [544, 16], strides = [1, 1]} : vector<544x512xf32> to vector<544x16xf32>
    %slice3A_404 = vector.extract_strided_slice %concatenate3A_289 {offsets = [0, 160], sizes = [544, 16], strides = [1, 1]} : vector<544x512xf32> to vector<544x16xf32>
    %slice3A_405 = vector.extract_strided_slice %concatenate3A_289 {offsets = [0, 288], sizes = [544, 16], strides = [1, 1]} : vector<544x512xf32> to vector<544x16xf32>
    %slice3A_406 = vector.extract_strided_slice %concatenate3A_289 {offsets = [0, 416], sizes = [544, 16], strides = [1, 1]} : vector<544x512xf32> to vector<544x16xf32>
    %concatenate3A_407 = tpu.concatenate %slice3A_403, %slice3A_404, %slice3A_405, %slice3A_406 in 1 : vector<544x16xf32>, vector<544x16xf32>, vector<544x16xf32>, vector<544x16xf32> -> vector<544x64xf32>
    %swap3A_408 = arith.constant 0 : index
    %swap3A_409 = arith.constant 2 : index
    %swap3A_410 = arith.constant 0 : index
    %swap3A_411 = arith.constant 0 : index
    %swap3A_412 = vector.load %arg15[%swap3A_408, %swap3A_409, %swap3A_410, %swap3A_411] : memref<1x8x544x64xf32, #tpu.memory_space<vmem>>, vector<1x1x544x64xf32>
    %swap3A_413 = vector.shape_cast %swap3A_412 : vector<1x1x544x64xf32> to vector<544x64xf32>
    %swap3A_414 = vector.shape_cast %concatenate3A_407 : vector<544x64xf32> to vector<1x1x544x64xf32>
    tpu.vector_store %arg15[%swap3A_408, %swap3A_409, %swap3A_410, %swap3A_411], %swap3A_414 {strides = array<i32>} : memref<1x8x544x64xf32, #tpu.memory_space<vmem>>, vector<1x1x544x64xf32>,
    %slice3A_415 = vector.extract_strided_slice %add3A_36 {offsets = [0, 96], sizes = [544, 16], strides = [1, 1]} : vector<544x256xf32> to vector<544x16xf32>
    %swap3A_416 = arith.constant 0 : index
    %swap3A_417 = arith.constant 3 : index
    %swap3A_418 = arith.constant 0 : index
    %swap3A_419 = arith.constant 0 : index
    %swap3A_420 = arith.constant 0 : index
    %swap3A_421 = vector.load %arg13[%swap3A_416, %swap3A_417, %swap3A_418, %swap3A_419, %swap3A_420] : memref<1x8x2x544x16xf32, #tpu.memory_space<vmem>>, vector<1x1x1x544x16xf32>
    %swap3A_422 = vector.shape_cast %swap3A_421 : vector<1x1x1x544x16xf32> to vector<544x16xf32>
    %swap3A_423 = vector.shape_cast %slice3A_415 : vector<544x16xf32> to vector<1x1x1x544x16xf32>
    tpu.vector_store %arg13[%swap3A_416, %swap3A_417, %swap3A_418, %swap3A_419, %swap3A_420], %swap3A_423 {strides = array<i32>} : memref<1x8x2x544x16xf32, #tpu.memory_space<vmem>>, vector<1x1x1x544x16xf32>,
    %slice3A_424 = vector.extract_strided_slice %add3A_36 {offsets = [0, 112], sizes = [544, 16], strides = [1, 1]} : vector<544x256xf32> to vector<544x16xf32>
    %swap3A_425 = arith.constant 0 : index
    %swap3A_426 = arith.constant 3 : index
    %swap3A_427 = arith.constant 1 : index
    %swap3A_428 = arith.constant 0 : index
    %swap3A_429 = arith.constant 0 : index
    %swap3A_430 = vector.load %arg13[%swap3A_425, %swap3A_426, %swap3A_427, %swap3A_428, %swap3A_429] : memref<1x8x2x544x16xf32, #tpu.memory_space<vmem>>, vector<1x1x1x544x16xf32>
    %swap3A_431 = vector.shape_cast %swap3A_430 : vector<1x1x1x544x16xf32> to vector<544x16xf32>
    %swap3A_432 = vector.shape_cast %slice3A_424 : vector<544x16xf32> to vector<1x1x1x544x16xf32>
    tpu.vector_store %arg13[%swap3A_425, %swap3A_426, %swap3A_427, %swap3A_428, %swap3A_429], %swap3A_432 {strides = array<i32>} : memref<1x8x2x544x16xf32, #tpu.memory_space<vmem>>, vector<1x1x1x544x16xf32>,
    %slice3A_433 = vector.extract_strided_slice %concatenate3A {offsets = [0, 48], sizes = [544, 16], strides = [1, 1]} : vector<544x512xi32> to vector<544x16xi32>
    %slice3A_434 = vector.extract_strided_slice %concatenate3A {offsets = [0, 176], sizes = [544, 16], strides = [1, 1]} : vector<544x512xi32> to vector<544x16xi32>
    %slice3A_435 = vector.extract_strided_slice %concatenate3A {offsets = [0, 304], sizes = [544, 16], strides = [1, 1]} : vector<544x512xi32> to vector<544x16xi32>
    %slice3A_436 = vector.extract_strided_slice %concatenate3A {offsets = [0, 432], sizes = [544, 16], strides = [1, 1]} : vector<544x512xi32> to vector<544x16xi32>
    %concatenate3A_437 = tpu.concatenate %slice3A_433, %slice3A_434, %slice3A_435, %slice3A_436 in 1 : vector<544x16xi32>, vector<544x16xi32>, vector<544x16xi32>, vector<544x16xi32> -> vector<544x64xi32>
    %swap3A_438 = arith.constant 0 : index
    %swap3A_439 = arith.constant 3 : index
    %swap3A_440 = arith.constant 0 : index
    %swap3A_441 = arith.constant 0 : index
    %swap3A_442 = vector.load %arg14[%swap3A_438, %swap3A_439, %swap3A_440, %swap3A_441] : memref<1x8x544x64xi32, #tpu.memory_space<vmem>>, vector<1x1x544x64xi32>
    %swap3A_443 = vector.shape_cast %swap3A_442 : vector<1x1x544x64xi32> to vector<544x64xi32>
    %swap3A_444 = vector.shape_cast %concatenate3A_437 : vector<544x64xi32> to vector<1x1x544x64xi32>
    tpu.vector_store %arg14[%swap3A_438, %swap3A_439, %swap3A_440, %swap3A_441], %swap3A_444 {strides = array<i32>} : memref<1x8x544x64xi32, #tpu.memory_space<vmem>>, vector<1x1x544x64xi32>,
    %slice3A_445 = vector.extract_strided_slice %concatenate3A_289 {offsets = [0, 48], sizes = [544, 16], strides = [1, 1]} : vector<544x512xf32> to vector<544x16xf32>
    %slice3A_446 = vector.extract_strided_slice %concatenate3A_289 {offsets = [0, 176], sizes = [544, 16], strides = [1, 1]} : vector<544x512xf32> to vector<544x16xf32>
    %slice3A_447 = vector.extract_strided_slice %concatenate3A_289 {offsets = [0, 304], sizes = [544, 16], strides = [1, 1]} : vector<544x512xf32> to vector<544x16xf32>
    %slice3A_448 = vector.extract_strided_slice %concatenate3A_289 {offsets = [0, 432], sizes = [544, 16], strides = [1, 1]} : vector<544x512xf32> to vector<544x16xf32>
    %concatenate3A_449 = tpu.concatenate %slice3A_445, %slice3A_446, %slice3A_447, %slice3A_448 in 1 : vector<544x16xf32>, vector<544x16xf32>, vector<544x16xf32>, vector<544x16xf32> -> vector<544x64xf32>
    %swap3A_450 = arith.constant 0 : index
    %swap3A_451 = arith.constant 3 : index
    %swap3A_452 = arith.constant 0 : index
    %swap3A_453 = arith.constant 0 : index
    %swap3A_454 = vector.load %arg15[%swap3A_450, %swap3A_451, %swap3A_452, %swap3A_453] : memref<1x8x544x64xf32, #tpu.memory_space<vmem>>, vector<1x1x544x64xf32>
    %swap3A_455 = vector.shape_cast %swap3A_454 : vector<1x1x544x64xf32> to vector<544x64xf32>
    %swap3A_456 = vector.shape_cast %concatenate3A_449 : vector<544x64xf32> to vector<1x1x544x64xf32>
    tpu.vector_store %arg15[%swap3A_450, %swap3A_451, %swap3A_452, %swap3A_453], %swap3A_456 {strides = array<i32>} : memref<1x8x544x64xf32, #tpu.memory_space<vmem>>, vector<1x1x544x64xf32>,
    %slice3A_457 = vector.extract_strided_slice %add3A_36 {offsets = [0, 128], sizes = [544, 16], strides = [1, 1]} : vector<544x256xf32> to vector<544x16xf32>
    %swap3A_458 = arith.constant 0 : index
    %swap3A_459 = arith.constant 4 : index
    %swap3A_460 = arith.constant 0 : index
    %swap3A_461 = arith.constant 0 : index
    %swap3A_462 = arith.constant 0 : index
    %swap3A_463 = vector.load %arg13[%swap3A_458, %swap3A_459, %swap3A_460, %swap3A_461, %swap3A_462] : memref<1x8x2x544x16xf32, #tpu.memory_space<vmem>>, vector<1x1x1x544x16xf32>
    %swap3A_464 = vector.shape_cast %swap3A_463 : vector<1x1x1x544x16xf32> to vector<544x16xf32>
    %swap3A_465 = vector.shape_cast %slice3A_457 : vector<544x16xf32> to vector<1x1x1x544x16xf32>
    tpu.vector_store %arg13[%swap3A_458, %swap3A_459, %swap3A_460, %swap3A_461, %swap3A_462], %swap3A_465 {strides = array<i32>} : memref<1x8x2x544x16xf32, #tpu.memory_space<vmem>>, vector<1x1x1x544x16xf32>,
    %slice3A_466 = vector.extract_strided_slice %add3A_36 {offsets = [0, 144], sizes = [544, 16], strides = [1, 1]} : vector<544x256xf32> to vector<544x16xf32>
    %swap3A_467 = arith.constant 0 : index
    %swap3A_468 = arith.constant 4 : index
    %swap3A_469 = arith.constant 1 : index
    %swap3A_470 = arith.constant 0 : index
    %swap3A_471 = arith.constant 0 : index
    %swap3A_472 = vector.load %arg13[%swap3A_467, %swap3A_468, %swap3A_469, %swap3A_470, %swap3A_471] : memref<1x8x2x544x16xf32, #tpu.memory_space<vmem>>, vector<1x1x1x544x16xf32>
    %swap3A_473 = vector.shape_cast %swap3A_472 : vector<1x1x1x544x16xf32> to vector<544x16xf32>
    %swap3A_474 = vector.shape_cast %slice3A_466 : vector<544x16xf32> to vector<1x1x1x544x16xf32>
    tpu.vector_store %arg13[%swap3A_467, %swap3A_468, %swap3A_469, %swap3A_470, %swap3A_471], %swap3A_474 {strides = array<i32>} : memref<1x8x2x544x16xf32, #tpu.memory_space<vmem>>, vector<1x1x1x544x16xf32>,
    %slice3A_475 = vector.extract_strided_slice %concatenate3A {offsets = [0, 64], sizes = [544, 16], strides = [1, 1]} : vector<544x512xi32> to vector<544x16xi32>
    %slice3A_476 = vector.extract_strided_slice %concatenate3A {offsets = [0, 192], sizes = [544, 16], strides = [1, 1]} : vector<544x512xi32> to vector<544x16xi32>
    %slice3A_477 = vector.extract_strided_slice %concatenate3A {offsets = [0, 320], sizes = [544, 16], strides = [1, 1]} : vector<544x512xi32> to vector<544x16xi32>
    %slice3A_478 = vector.extract_strided_slice %concatenate3A {offsets = [0, 448], sizes = [544, 16], strides = [1, 1]} : vector<544x512xi32> to vector<544x16xi32>
    %concatenate3A_479 = tpu.concatenate %slice3A_475, %slice3A_476, %slice3A_477, %slice3A_478 in 1 : vector<544x16xi32>, vector<544x16xi32>, vector<544x16xi32>, vector<544x16xi32> -> vector<544x64xi32>
    %swap3A_480 = arith.constant 0 : index
    %swap3A_481 = arith.constant 4 : index
    %swap3A_482 = arith.constant 0 : index
    %swap3A_483 = arith.constant 0 : index
    %swap3A_484 = vector.load %arg14[%swap3A_480, %swap3A_481, %swap3A_482, %swap3A_483] : memref<1x8x544x64xi32, #tpu.memory_space<vmem>>, vector<1x1x544x64xi32>
    %swap3A_485 = vector.shape_cast %swap3A_484 : vector<1x1x544x64xi32> to vector<544x64xi32>
    %swap3A_486 = vector.shape_cast %concatenate3A_479 : vector<544x64xi32> to vector<1x1x544x64xi32>
    tpu.vector_store %arg14[%swap3A_480, %swap3A_481, %swap3A_482, %swap3A_483], %swap3A_486 {strides = array<i32>} : memref<1x8x544x64xi32, #tpu.memory_space<vmem>>, vector<1x1x544x64xi32>,
    %slice3A_487 = vector.extract_strided_slice %concatenate3A_289 {offsets = [0, 64], sizes = [544, 16], strides = [1, 1]} : vector<544x512xf32> to vector<544x16xf32>
    %slice3A_488 = vector.extract_strided_slice %concatenate3A_289 {offsets = [0, 192], sizes = [544, 16], strides = [1, 1]} : vector<544x512xf32> to vector<544x16xf32>
    %slice3A_489 = vector.extract_strided_slice %concatenate3A_289 {offsets = [0, 320], sizes = [544, 16], strides = [1, 1]} : vector<544x512xf32> to vector<544x16xf32>
    %slice3A_490 = vector.extract_strided_slice %concatenate3A_289 {offsets = [0, 448], sizes = [544, 16], strides = [1, 1]} : vector<544x512xf32> to vector<544x16xf32>
    %concatenate3A_491 = tpu.concatenate %slice3A_487, %slice3A_488, %slice3A_489, %slice3A_490 in 1 : vector<544x16xf32>, vector<544x16xf32>, vector<544x16xf32>, vector<544x16xf32> -> vector<544x64xf32>
    %swap3A_492 = arith.constant 0 : index
    %swap3A_493 = arith.constant 4 : index
    %swap3A_494 = arith.constant 0 : index
    %swap3A_495 = arith.constant 0 : index
    %swap3A_496 = vector.load %arg15[%swap3A_492, %swap3A_493, %swap3A_494, %swap3A_495] : memref<1x8x544x64xf32, #tpu.memory_space<vmem>>, vector<1x1x544x64xf32>
    %swap3A_497 = vector.shape_cast %swap3A_496 : vector<1x1x544x64xf32> to vector<544x64xf32>
    %swap3A_498 = vector.shape_cast %concatenate3A_491 : vector<544x64xf32> to vector<1x1x544x64xf32>
    tpu.vector_store %arg15[%swap3A_492, %swap3A_493, %swap3A_494, %swap3A_495], %swap3A_498 {strides = array<i32>} : memref<1x8x544x64xf32, #tpu.memory_space<vmem>>, vector<1x1x544x64xf32>,
    %slice3A_499 = vector.extract_strided_slice %add3A_36 {offsets = [0, 160], sizes = [544, 16], strides = [1, 1]} : vector<544x256xf32> to vector<544x16xf32>
    %swap3A_500 = arith.constant 0 : index
    %swap3A_501 = arith.constant 5 : index
    %swap3A_502 = arith.constant 0 : index
    %swap3A_503 = arith.constant 0 : index
    %swap3A_504 = arith.constant 0 : index
    %swap3A_505 = vector.load %arg13[%swap3A_500, %swap3A_501, %swap3A_502, %swap3A_503, %swap3A_504] : memref<1x8x2x544x16xf32, #tpu.memory_space<vmem>>, vector<1x1x1x544x16xf32>
    %swap3A_506 = vector.shape_cast %swap3A_505 : vector<1x1x1x544x16xf32> to vector<544x16xf32>
    %swap3A_507 = vector.shape_cast %slice3A_499 : vector<544x16xf32> to vector<1x1x1x544x16xf32>
    tpu.vector_store %arg13[%swap3A_500, %swap3A_501, %swap3A_502, %swap3A_503, %swap3A_504], %swap3A_507 {strides = array<i32>} : memref<1x8x2x544x16xf32, #tpu.memory_space<vmem>>, vector<1x1x1x544x16xf32>,
    %slice3A_508 = vector.extract_strided_slice %add3A_36 {offsets = [0, 176], sizes = [544, 16], strides = [1, 1]} : vector<544x256xf32> to vector<544x16xf32>
    %swap3A_509 = arith.constant 0 : index
    %swap3A_510 = arith.constant 5 : index
    %swap3A_511 = arith.constant 1 : index
    %swap3A_512 = arith.constant 0 : index
    %swap3A_513 = arith.constant 0 : index
    %swap3A_514 = vector.load %arg13[%swap3A_509, %swap3A_510, %swap3A_511, %swap3A_512, %swap3A_513] : memref<1x8x2x544x16xf32, #tpu.memory_space<vmem>>, vector<1x1x1x544x16xf32>
    %swap3A_515 = vector.shape_cast %swap3A_514 : vector<1x1x1x544x16xf32> to vector<544x16xf32>
    %swap3A_516 = vector.shape_cast %slice3A_508 : vector<544x16xf32> to vector<1x1x1x544x16xf32>
    tpu.vector_store %arg13[%swap3A_509, %swap3A_510, %swap3A_511, %swap3A_512, %swap3A_513], %swap3A_516 {strides = array<i32>} : memref<1x8x2x544x16xf32, #tpu.memory_space<vmem>>, vector<1x1x1x544x16xf32>,
    %slice3A_517 = vector.extract_strided_slice %concatenate3A {offsets = [0, 80], sizes = [544, 16], strides = [1, 1]} : vector<544x512xi32> to vector<544x16xi32>
    %slice3A_518 = vector.extract_strided_slice %concatenate3A {offsets = [0, 208], sizes = [544, 16], strides = [1, 1]} : vector<544x512xi32> to vector<544x16xi32>
    %slice3A_519 = vector.extract_strided_slice %concatenate3A {offsets = [0, 336], sizes = [544, 16], strides = [1, 1]} : vector<544x512xi32> to vector<544x16xi32>
    %slice3A_520 = vector.extract_strided_slice %concatenate3A {offsets = [0, 464], sizes = [544, 16], strides = [1, 1]} : vector<544x512xi32> to vector<544x16xi32>
    %concatenate3A_521 = tpu.concatenate %slice3A_517, %slice3A_518, %slice3A_519, %slice3A_520 in 1 : vector<544x16xi32>, vector<544x16xi32>, vector<544x16xi32>, vector<544x16xi32> -> vector<544x64xi32>
    %swap3A_522 = arith.constant 0 : index
    %swap3A_523 = arith.constant 5 : index
    %swap3A_524 = arith.constant 0 : index
    %swap3A_525 = arith.constant 0 : index
    %swap3A_526 = vector.load %arg14[%swap3A_522, %swap3A_523, %swap3A_524, %swap3A_525] : memref<1x8x544x64xi32, #tpu.memory_space<vmem>>, vector<1x1x544x64xi32>
    %swap3A_527 = vector.shape_cast %swap3A_526 : vector<1x1x544x64xi32> to vector<544x64xi32>
    %swap3A_528 = vector.shape_cast %concatenate3A_521 : vector<544x64xi32> to vector<1x1x544x64xi32>
    tpu.vector_store %arg14[%swap3A_522, %swap3A_523, %swap3A_524, %swap3A_525], %swap3A_528 {strides = array<i32>} : memref<1x8x544x64xi32, #tpu.memory_space<vmem>>, vector<1x1x544x64xi32>,
    %slice3A_529 = vector.extract_strided_slice %concatenate3A_289 {offsets = [0, 80], sizes = [544, 16], strides = [1, 1]} : vector<544x512xf32> to vector<544x16xf32>
    %slice3A_530 = vector.extract_strided_slice %concatenate3A_289 {offsets = [0, 208], sizes = [544, 16], strides = [1, 1]} : vector<544x512xf32> to vector<544x16xf32>
    %slice3A_531 = vector.extract_strided_slice %concatenate3A_289 {offsets = [0, 336], sizes = [544, 16], strides = [1, 1]} : vector<544x512xf32> to vector<544x16xf32>
    %slice3A_532 = vector.extract_strided_slice %concatenate3A_289 {offsets = [0, 464], sizes = [544, 16], strides = [1, 1]} : vector<544x512xf32> to vector<544x16xf32>
    %concatenate3A_533 = tpu.concatenate %slice3A_529, %slice3A_530, %slice3A_531, %slice3A_532 in 1 : vector<544x16xf32>, vector<544x16xf32>, vector<544x16xf32>, vector<544x16xf32> -> vector<544x64xf32>
    %swap3A_534 = arith.constant 0 : index
    %swap3A_535 = arith.constant 5 : index
    %swap3A_536 = arith.constant 0 : index
    %swap3A_537 = arith.constant 0 : index
    %swap3A_538 = vector.load %arg15[%swap3A_534, %swap3A_535, %swap3A_536, %swap3A_537] : memref<1x8x544x64xf32, #tpu.memory_space<vmem>>, vector<1x1x544x64xf32>
    %swap3A_539 = vector.shape_cast %swap3A_538 : vector<1x1x544x64xf32> to vector<544x64xf32>
    %swap3A_540 = vector.shape_cast %concatenate3A_533 : vector<544x64xf32> to vector<1x1x544x64xf32>
    tpu.vector_store %arg15[%swap3A_534, %swap3A_535, %swap3A_536, %swap3A_537], %swap3A_540 {strides = array<i32>} : memref<1x8x544x64xf32, #tpu.memory_space<vmem>>, vector<1x1x544x64xf32>,
    %slice3A_541 = vector.extract_strided_slice %add3A_36 {offsets = [0, 192], sizes = [544, 16], strides = [1, 1]} : vector<544x256xf32> to vector<544x16xf32>
    %swap3A_542 = arith.constant 0 : index
    %swap3A_543 = arith.constant 6 : index
    %swap3A_544 = arith.constant 0 : index
    %swap3A_545 = arith.constant 0 : index
    %swap3A_546 = arith.constant 0 : index
    %swap3A_547 = vector.load %arg13[%swap3A_542, %swap3A_543, %swap3A_544, %swap3A_545, %swap3A_546] : memref<1x8x2x544x16xf32, #tpu.memory_space<vmem>>, vector<1x1x1x544x16xf32>
    %swap3A_548 = vector.shape_cast %swap3A_547 : vector<1x1x1x544x16xf32> to vector<544x16xf32>
    %swap3A_549 = vector.shape_cast %slice3A_541 : vector<544x16xf32> to vector<1x1x1x544x16xf32>
    tpu.vector_store %arg13[%swap3A_542, %swap3A_543, %swap3A_544, %swap3A_545, %swap3A_546], %swap3A_549 {strides = array<i32>} : memref<1x8x2x544x16xf32, #tpu.memory_space<vmem>>, vector<1x1x1x544x16xf32>,
    %slice3A_550 = vector.extract_strided_slice %add3A_36 {offsets = [0, 208], sizes = [544, 16], strides = [1, 1]} : vector<544x256xf32> to vector<544x16xf32>
    %swap3A_551 = arith.constant 0 : index
    %swap3A_552 = arith.constant 6 : index
    %swap3A_553 = arith.constant 1 : index
    %swap3A_554 = arith.constant 0 : index
    %swap3A_555 = arith.constant 0 : index
    %swap3A_556 = vector.load %arg13[%swap3A_551, %swap3A_552, %swap3A_553, %swap3A_554, %swap3A_555] : memref<1x8x2x544x16xf32, #tpu.memory_space<vmem>>, vector<1x1x1x544x16xf32>
    %swap3A_557 = vector.shape_cast %swap3A_556 : vector<1x1x1x544x16xf32> to vector<544x16xf32>
    %swap3A_558 = vector.shape_cast %slice3A_550 : vector<544x16xf32> to vector<1x1x1x544x16xf32>
    tpu.vector_store %arg13[%swap3A_551, %swap3A_552, %swap3A_553, %swap3A_554, %swap3A_555], %swap3A_558 {strides = array<i32>} : memref<1x8x2x544x16xf32, #tpu.memory_space<vmem>>, vector<1x1x1x544x16xf32>,
    %slice3A_559 = vector.extract_strided_slice %concatenate3A {offsets = [0, 96], sizes = [544, 16], strides = [1, 1]} : vector<544x512xi32> to vector<544x16xi32>
    %slice3A_560 = vector.extract_strided_slice %concatenate3A {offsets = [0, 224], sizes = [544, 16], strides = [1, 1]} : vector<544x512xi32> to vector<544x16xi32>
    %slice3A_561 = vector.extract_strided_slice %concatenate3A {offsets = [0, 352], sizes = [544, 16], strides = [1, 1]} : vector<544x512xi32> to vector<544x16xi32>
    %slice3A_562 = vector.extract_strided_slice %concatenate3A {offsets = [0, 480], sizes = [544, 16], strides = [1, 1]} : vector<544x512xi32> to vector<544x16xi32>
    %concatenate3A_563 = tpu.concatenate %slice3A_559, %slice3A_560, %slice3A_561, %slice3A_562 in 1 : vector<544x16xi32>, vector<544x16xi32>, vector<544x16xi32>, vector<544x16xi32> -> vector<544x64xi32>
    %swap3A_564 = arith.constant 0 : index
    %swap3A_565 = arith.constant 6 : index
    %swap3A_566 = arith.constant 0 : index
    %swap3A_567 = arith.constant 0 : index
    %swap3A_568 = vector.load %arg14[%swap3A_564, %swap3A_565, %swap3A_566, %swap3A_567] : memref<1x8x544x64xi32, #tpu.memory_space<vmem>>, vector<1x1x544x64xi32>
    %swap3A_569 = vector.shape_cast %swap3A_568 : vector<1x1x544x64xi32> to vector<544x64xi32>
    %swap3A_570 = vector.shape_cast %concatenate3A_563 : vector<544x64xi32> to vector<1x1x544x64xi32>
    tpu.vector_store %arg14[%swap3A_564, %swap3A_565, %swap3A_566, %swap3A_567], %swap3A_570 {strides = array<i32>} : memref<1x8x544x64xi32, #tpu.memory_space<vmem>>, vector<1x1x544x64xi32>,
    %slice3A_571 = vector.extract_strided_slice %concatenate3A_289 {offsets = [0, 96], sizes = [544, 16], strides = [1, 1]} : vector<544x512xf32> to vector<544x16xf32>
    %slice3A_572 = vector.extract_strided_slice %concatenate3A_289 {offsets = [0, 224], sizes = [544, 16], strides = [1, 1]} : vector<544x512xf32> to vector<544x16xf32>
    %slice3A_573 = vector.extract_strided_slice %concatenate3A_289 {offsets = [0, 352], sizes = [544, 16], strides = [1, 1]} : vector<544x512xf32> to vector<544x16xf32>
    %slice3A_574 = vector.extract_strided_slice %concatenate3A_289 {offsets = [0, 480], sizes = [544, 16], strides = [1, 1]} : vector<544x512xf32> to vector<544x16xf32>
    %concatenate3A_575 = tpu.concatenate %slice3A_571, %slice3A_572, %slice3A_573, %slice3A_574 in 1 : vector<544x16xf32>, vector<544x16xf32>, vector<544x16xf32>, vector<544x16xf32> -> vector<544x64xf32>
    %swap3A_576 = arith.constant 0 : index
    %swap3A_577 = arith.constant 6 : index
    %swap3A_578 = arith.constant 0 : index
    %swap3A_579 = arith.constant 0 : index
    %swap3A_580 = vector.load %arg15[%swap3A_576, %swap3A_577, %swap3A_578, %swap3A_579] : memref<1x8x544x64xf32, #tpu.memory_space<vmem>>, vector<1x1x544x64xf32>
    %swap3A_581 = vector.shape_cast %swap3A_580 : vector<1x1x544x64xf32> to vector<544x64xf32>
    %swap3A_582 = vector.shape_cast %concatenate3A_575 : vector<544x64xf32> to vector<1x1x544x64xf32>
    tpu.vector_store %arg15[%swap3A_576, %swap3A_577, %swap3A_578, %swap3A_579], %swap3A_582 {strides = array<i32>} : memref<1x8x544x64xf32, #tpu.memory_space<vmem>>, vector<1x1x544x64xf32>,
    %slice3A_583 = vector.extract_strided_slice %add3A_36 {offsets = [0, 224], sizes = [544, 16], strides = [1, 1]} : vector<544x256xf32> to vector<544x16xf32>
    %swap3A_584 = arith.constant 0 : index
    %swap3A_585 = arith.constant 7 : index
    %swap3A_586 = arith.constant 0 : index
    %swap3A_587 = arith.constant 0 : index
    %swap3A_588 = arith.constant 0 : index
    %swap3A_589 = vector.load %arg13[%swap3A_584, %swap3A_585, %swap3A_586, %swap3A_587, %swap3A_588] : memref<1x8x2x544x16xf32, #tpu.memory_space<vmem>>, vector<1x1x1x544x16xf32>
    %swap3A_590 = vector.shape_cast %swap3A_589 : vector<1x1x1x544x16xf32> to vector<544x16xf32>
    %swap3A_591 = vector.shape_cast %slice3A_583 : vector<544x16xf32> to vector<1x1x1x544x16xf32>
    tpu.vector_store %arg13[%swap3A_584, %swap3A_585, %swap3A_586, %swap3A_587, %swap3A_588], %swap3A_591 {strides = array<i32>} : memref<1x8x2x544x16xf32, #tpu.memory_space<vmem>>, vector<1x1x1x544x16xf32>,
    %slice3A_592 = vector.extract_strided_slice %add3A_36 {offsets = [0, 240], sizes = [544, 16], strides = [1, 1]} : vector<544x256xf32> to vector<544x16xf32>
    %swap3A_593 = arith.constant 0 : index
    %swap3A_594 = arith.constant 7 : index
    %swap3A_595 = arith.constant 1 : index
    %swap3A_596 = arith.constant 0 : index
    %swap3A_597 = arith.constant 0 : index
    %swap3A_598 = vector.load %arg13[%swap3A_593, %swap3A_594, %swap3A_595, %swap3A_596, %swap3A_597] : memref<1x8x2x544x16xf32, #tpu.memory_space<vmem>>, vector<1x1x1x544x16xf32>
    %swap3A_599 = vector.shape_cast %swap3A_598 : vector<1x1x1x544x16xf32> to vector<544x16xf32>
    %swap3A_600 = vector.shape_cast %slice3A_592 : vector<544x16xf32> to vector<1x1x1x544x16xf32>
    tpu.vector_store %arg13[%swap3A_593, %swap3A_594, %swap3A_595, %swap3A_596, %swap3A_597], %swap3A_600 {strides = array<i32>} : memref<1x8x2x544x16xf32, #tpu.memory_space<vmem>>, vector<1x1x1x544x16xf32>,
    %slice3A_601 = vector.extract_strided_slice %concatenate3A {offsets = [0, 112], sizes = [544, 16], strides = [1, 1]} : vector<544x512xi32> to vector<544x16xi32>
    %slice3A_602 = vector.extract_strided_slice %concatenate3A {offsets = [0, 240], sizes = [544, 16], strides = [1, 1]} : vector<544x512xi32> to vector<544x16xi32>
    %slice3A_603 = vector.extract_strided_slice %concatenate3A {offsets = [0, 368], sizes = [544, 16], strides = [1, 1]} : vector<544x512xi32> to vector<544x16xi32>
    %slice3A_604 = vector.extract_strided_slice %concatenate3A {offsets = [0, 496], sizes = [544, 16], strides = [1, 1]} : vector<544x512xi32> to vector<544x16xi32>
    %concatenate3A_605 = tpu.concatenate %slice3A_601, %slice3A_602, %slice3A_603, %slice3A_604 in 1 : vector<544x16xi32>, vector<544x16xi32>, vector<544x16xi32>, vector<544x16xi32> -> vector<544x64xi32>
    %swap3A_606 = arith.constant 0 : index
    %swap3A_607 = arith.constant 7 : index
    %swap3A_608 = arith.constant 0 : index
    %swap3A_609 = arith.constant 0 : index
    %swap3A_610 = vector.load %arg14[%swap3A_606, %swap3A_607, %swap3A_608, %swap3A_609] : memref<1x8x544x64xi32, #tpu.memory_space<vmem>>, vector<1x1x544x64xi32>
    %swap3A_611 = vector.shape_cast %swap3A_610 : vector<1x1x544x64xi32> to vector<544x64xi32>
    %swap3A_612 = vector.shape_cast %concatenate3A_605 : vector<544x64xi32> to vector<1x1x544x64xi32>
    tpu.vector_store %arg14[%swap3A_606, %swap3A_607, %swap3A_608, %swap3A_609], %swap3A_612 {strides = array<i32>} : memref<1x8x544x64xi32, #tpu.memory_space<vmem>>, vector<1x1x544x64xi32>,
    %slice3A_613 = vector.extract_strided_slice %concatenate3A_289 {offsets = [0, 112], sizes = [544, 16], strides = [1, 1]} : vector<544x512xf32> to vector<544x16xf32>
    %slice3A_614 = vector.extract_strided_slice %concatenate3A_289 {offsets = [0, 240], sizes = [544, 16], strides = [1, 1]} : vector<544x512xf32> to vector<544x16xf32>
    %slice3A_615 = vector.extract_strided_slice %concatenate3A_289 {offsets = [0, 368], sizes = [544, 16], strides = [1, 1]} : vector<544x512xf32> to vector<544x16xf32>
    %slice3A_616 = vector.extract_strided_slice %concatenate3A_289 {offsets = [0, 496], sizes = [544, 16], strides = [1, 1]} : vector<544x512xf32> to vector<544x16xf32>
    %concatenate3A_617 = tpu.concatenate %slice3A_613, %slice3A_614, %slice3A_615, %slice3A_616 in 1 : vector<544x16xf32>, vector<544x16xf32>, vector<544x16xf32>, vector<544x16xf32> -> vector<544x64xf32>
    %swap3A_618 = arith.constant 0 : index
    %swap3A_619 = arith.constant 7 : index
    %swap3A_620 = arith.constant 0 : index
    %swap3A_621 = arith.constant 0 : index
    %swap3A_622 = vector.load %arg15[%swap3A_618, %swap3A_619, %swap3A_620, %swap3A_621] : memref<1x8x544x64xf32, #tpu.memory_space<vmem>>, vector<1x1x544x64xf32>
    %swap3A_623 = vector.shape_cast %swap3A_622 : vector<1x1x544x64xf32> to vector<544x64xf32>
    %swap3A_624 = vector.shape_cast %concatenate3A_617 : vector<544x64xf32> to vector<1x1x544x64xf32>
    tpu.vector_store %arg15[%swap3A_618, %swap3A_619, %swap3A_620, %swap3A_621], %swap3A_624 {strides = array<i32>} : memref<1x8x544x64xf32, #tpu.memory_space<vmem>>, vector<1x1x544x64xf32>,
    return
  }
  func.func @transform_0(%arg0: i32) -> (i32, i32) {
    %c0_i32 = arith.constant 0 : i32
    %c0_i32_0 = arith.constant 0 : i32
    return %arg0, %c0_i32 : i32, i32
  }
  func.func @transform_1(%arg0: i32) -> (i32, i32) {
    %c0_i32 = arith.constant 0 : i32
    %c0_i32_0 = arith.constant 0 : i32
    return %arg0, %c0_i32 : i32, i32
  }
  func.func @transform_2(%arg0: i32) -> (i32, i32) {
    %c0_i32 = arith.constant 0 : i32
    %c0_i32_0 = arith.constant 0 : i32
    return %arg0, %c0_i32 : i32, i32
  }
  func.func @transform_3(%arg0: i32) -> (i32, i32) {
    %c0_i32 = arith.constant 0 : i32
    %c0_i32_0 = arith.constant 0 : i32
    return %arg0, %c0_i32 : i32, i32
  }
  func.func @transform_4(%arg0: i32) -> (i32, i32) {
    %c0_i32 = arith.constant 0 : i32
    %c0_i32_0 = arith.constant 0 : i32
    %c0_i32_1 = arith.constant 0 : i32
    return %c0_i32, %c0_i32_0 : i32, i32
  }
  func.func @transform_5(%arg0: i32) -> (i32, i32) {
    %c0_i32 = arith.constant 0 : i32
    %c0_i32_0 = arith.constant 0 : i32
    %c0_i32_1 = arith.constant 0 : i32
    return %c0_i32, %c0_i32_0 : i32, i32
  }
  func.func @transform_6(%arg0: i32) -> (i32, i32) {
    %c0_i32 = arith.constant 0 : i32
    %c0_i32_0 = arith.constant 0 : i32
    %c0_i32_1 = arith.constant 0 : i32
    return %c0_i32, %c0_i32_0 : i32, i32
  }
  func.func @transform_7(%arg0: i32) -> (i32, i32) {
    %c0_i32 = arith.constant 0 : i32
    %c0_i32_0 = arith.constant 0 : i32
    %c0_i32_1 = arith.constant 0 : i32
    return %c0_i32, %c0_i32_0 : i32, i32
  }
  func.func @transform_8(%arg0: i32) -> (i32, i32) {
    %c0_i32 = arith.constant 0 : i32
    %c0_i32_0 = arith.constant 0 : i32
    %c0_i32_1 = arith.constant 0 : i32
    return %c0_i32, %c0_i32_0 : i32, i32
  }
  func.func @transform_9(%arg0: i32) -> (i32, i32) {
    %c0_i32 = arith.constant 0 : i32
    %c0_i32_0 = arith.constant 0 : i32
    %c0_i32_1 = arith.constant 0 : i32
    return %c0_i32, %c0_i32_0 : i32, i32
  }
  func.func @transform_10(%arg0: i32) -> (i32, i32) {
    %c0_i32 = arith.constant 0 : i32
    %c0_i32_0 = arith.constant 0 : i32
    %c0_i32_1 = arith.constant 0 : i32
    return %c0_i32, %c0_i32_0 : i32, i32
  }
  func.func @transform_11(%arg0: i32) -> (i32, i32) {
    %c0_i32 = arith.constant 0 : i32
    %c0_i32_0 = arith.constant 0 : i32
    %c0_i32_1 = arith.constant 0 : i32
    return %c0_i32, %c0_i32_0 : i32, i32
  }
  func.func @transform_12(%arg0: i32) -> (i32, i32, i32, i32, i32) {
    %jit3A = arith.constant 10 : i32
    %div3A = arith.divsi %arg0, %jit3A : i32
    %sign3A = arith.constant 0 : i32
    %sign3A_0 = arith.cmpi sgt, %arg0, %sign3A : i32
    %sign3A_1 = arith.extui %sign3A_0 : i1 to i32
    %sign3A_2 = arith.constant 0 : i32
    %sign3A_3 = arith.cmpi slt, %arg0, %sign3A_2 : i32
    %sign3A_4 = arith.extui %sign3A_3 : i1 to i32
    %sign3A_5 = arith.subi %sign3A_1, %sign3A_4 : i32
    %sign3A_6 = arith.constant 0 : i32
    %sign3A_7 = arith.cmpi sgt, %jit3A, %sign3A_6 : i32
    %sign3A_8 = arith.extui %sign3A_7 : i1 to i32
    %sign3A_9 = arith.constant 0 : i32
    %sign3A_10 = arith.cmpi slt, %jit3A, %sign3A_9 : i32
    %sign3A_11 = arith.extui %sign3A_10 : i1 to i32
    %sign3A_12 = arith.subi %sign3A_8, %sign3A_11 : i32
    %ne3A = arith.cmpi ne, %sign3A_5, %sign3A_12 : i32
    %rem3A = arith.remsi %arg0, %jit3A : i32
    %ne3A_13 = arith.constant 0 : i32
    %ne3A_14 = arith.cmpi ne, %rem3A, %ne3A_13 : i32
    %and3A = arith.andi %ne3A, %ne3A_14 : i1
    %sub3A = arith.constant 1 : i32
    %sub3A_15 = arith.subi %div3A, %sub3A : i32
    %select_n3A = arith.select %and3A, %sub3A_15, %div3A : i32
    %jit3A_16 = arith.constant 10 : i32
    %eq3A = arith.constant 0 : i32
    %eq3A_17 = arith.cmpi eq, %jit3A_16, %eq3A : i32
    %jit3A_18 = arith.constant 1 : i32
    %select_n3A_19 = arith.select %eq3A_17, %jit3A_18, %jit3A_16 : i32
    %rem3A_20 = arith.remsi %arg0, %select_n3A_19 : i32
    %ne3A_21 = arith.constant 0 : i32
    %ne3A_22 = arith.cmpi ne, %rem3A_20, %ne3A_21 : i32
    %lt3A = arith.constant 0 : i32
    %lt3A_23 = arith.cmpi slt, %rem3A_20, %lt3A : i32
    %lt3A_24 = arith.constant 0 : i32
    %lt3A_25 = arith.cmpi slt, %select_n3A_19, %lt3A_24 : i32
    %ne3A_26 = arith.xori %lt3A_23, %lt3A_25 : i1
    %and3A_27 = arith.andi %ne3A_26, %ne3A_22 : i1
    %add3A = arith.addi %rem3A_20, %select_n3A_19 : i32
    %select_n3A_28 = arith.select %and3A_27, %add3A, %rem3A_20 : i32
    %c0_i32 = arith.constant 0 : i32
    %c0_i32_29 = arith.constant 0 : i32
    %c0_i32_30 = arith.constant 0 : i32
    %c0_i32_31 = arith.constant 0 : i32
    return %select_n3A, %c0_i32, %c0_i32_29, %select_n3A_28, %c0_i32_30 : i32, i32, i32, i32, i32
  }
  func.func @transform_13(%arg0: i32) -> (i32, i32, i32, i32) {
    %jit3A = arith.constant 10 : i32
    %div3A = arith.divsi %arg0, %jit3A : i32
    %sign3A = arith.constant 0 : i32
    %sign3A_0 = arith.cmpi sgt, %arg0, %sign3A : i32
    %sign3A_1 = arith.extui %sign3A_0 : i1 to i32
    %sign3A_2 = arith.constant 0 : i32
    %sign3A_3 = arith.cmpi slt, %arg0, %sign3A_2 : i32
    %sign3A_4 = arith.extui %sign3A_3 : i1 to i32
    %sign3A_5 = arith.subi %sign3A_1, %sign3A_4 : i32
    %sign3A_6 = arith.constant 0 : i32
    %sign3A_7 = arith.cmpi sgt, %jit3A, %sign3A_6 : i32
    %sign3A_8 = arith.extui %sign3A_7 : i1 to i32
    %sign3A_9 = arith.constant 0 : i32
    %sign3A_10 = arith.cmpi slt, %jit3A, %sign3A_9 : i32
    %sign3A_11 = arith.extui %sign3A_10 : i1 to i32
    %sign3A_12 = arith.subi %sign3A_8, %sign3A_11 : i32
    %ne3A = arith.cmpi ne, %sign3A_5, %sign3A_12 : i32
    %rem3A = arith.remsi %arg0, %jit3A : i32
    %ne3A_13 = arith.constant 0 : i32
    %ne3A_14 = arith.cmpi ne, %rem3A, %ne3A_13 : i32
    %and3A = arith.andi %ne3A, %ne3A_14 : i1
    %sub3A = arith.constant 1 : i32
    %sub3A_15 = arith.subi %div3A, %sub3A : i32
    %select_n3A = arith.select %and3A, %sub3A_15, %div3A : i32
    %jit3A_16 = arith.constant 10 : i32
    %eq3A = arith.constant 0 : i32
    %eq3A_17 = arith.cmpi eq, %jit3A_16, %eq3A : i32
    %jit3A_18 = arith.constant 1 : i32
    %select_n3A_19 = arith.select %eq3A_17, %jit3A_18, %jit3A_16 : i32
    %rem3A_20 = arith.remsi %arg0, %select_n3A_19 : i32
    %ne3A_21 = arith.constant 0 : i32
    %ne3A_22 = arith.cmpi ne, %rem3A_20, %ne3A_21 : i32
    %lt3A = arith.constant 0 : i32
    %lt3A_23 = arith.cmpi slt, %rem3A_20, %lt3A : i32
    %lt3A_24 = arith.constant 0 : i32
    %lt3A_25 = arith.cmpi slt, %select_n3A_19, %lt3A_24 : i32
    %ne3A_26 = arith.xori %lt3A_23, %lt3A_25 : i1
    %and3A_27 = arith.andi %ne3A_26, %ne3A_22 : i1
    %add3A = arith.addi %rem3A_20, %select_n3A_19 : i32
    %select_n3A_28 = arith.select %and3A_27, %add3A, %rem3A_20 : i32
    %c0_i32 = arith.constant 0 : i32
    %c0_i32_29 = arith.constant 0 : i32
    %c0_i32_30 = arith.constant 0 : i32
    return %select_n3A, %c0_i32, %select_n3A_28, %c0_i32_29 : i32, i32, i32, i32
  }
  func.func @transform_14(%arg0: i32) -> (i32, i32, i32, i32) {
    %jit3A = arith.constant 10 : i32
    %div3A = arith.divsi %arg0, %jit3A : i32
    %sign3A = arith.constant 0 : i32
    %sign3A_0 = arith.cmpi sgt, %arg0, %sign3A : i32
    %sign3A_1 = arith.extui %sign3A_0 : i1 to i32
    %sign3A_2 = arith.constant 0 : i32
    %sign3A_3 = arith.cmpi slt, %arg0, %sign3A_2 : i32
    %sign3A_4 = arith.extui %sign3A_3 : i1 to i32
    %sign3A_5 = arith.subi %sign3A_1, %sign3A_4 : i32
    %sign3A_6 = arith.constant 0 : i32
    %sign3A_7 = arith.cmpi sgt, %jit3A, %sign3A_6 : i32
    %sign3A_8 = arith.extui %sign3A_7 : i1 to i32
    %sign3A_9 = arith.constant 0 : i32
    %sign3A_10 = arith.cmpi slt, %jit3A, %sign3A_9 : i32
    %sign3A_11 = arith.extui %sign3A_10 : i1 to i32
    %sign3A_12 = arith.subi %sign3A_8, %sign3A_11 : i32
    %ne3A = arith.cmpi ne, %sign3A_5, %sign3A_12 : i32
    %rem3A = arith.remsi %arg0, %jit3A : i32
    %ne3A_13 = arith.constant 0 : i32
    %ne3A_14 = arith.cmpi ne, %rem3A, %ne3A_13 : i32
    %and3A = arith.andi %ne3A, %ne3A_14 : i1
    %sub3A = arith.constant 1 : i32
    %sub3A_15 = arith.subi %div3A, %sub3A : i32
    %select_n3A = arith.select %and3A, %sub3A_15, %div3A : i32
    %jit3A_16 = arith.constant 10 : i32
    %eq3A = arith.constant 0 : i32
    %eq3A_17 = arith.cmpi eq, %jit3A_16, %eq3A : i32
    %jit3A_18 = arith.constant 1 : i32
    %select_n3A_19 = arith.select %eq3A_17, %jit3A_18, %jit3A_16 : i32
    %rem3A_20 = arith.remsi %arg0, %select_n3A_19 : i32
    %ne3A_21 = arith.constant 0 : i32
    %ne3A_22 = arith.cmpi ne, %rem3A_20, %ne3A_21 : i32
    %lt3A = arith.constant 0 : i32
    %lt3A_23 = arith.cmpi slt, %rem3A_20, %lt3A : i32
    %lt3A_24 = arith.constant 0 : i32
    %lt3A_25 = arith.cmpi slt, %select_n3A_19, %lt3A_24 : i32
    %ne3A_26 = arith.xori %lt3A_23, %lt3A_25 : i1
    %and3A_27 = arith.andi %ne3A_26, %ne3A_22 : i1
    %add3A = arith.addi %rem3A_20, %select_n3A_19 : i32
    %select_n3A_28 = arith.select %and3A_27, %add3A, %rem3A_20 : i32
    %c0_i32 = arith.constant 0 : i32
    %c0_i32_29 = arith.constant 0 : i32
    %c0_i32_30 = arith.constant 0 : i32
    return %select_n3A, %c0_i32, %select_n3A_28, %c0_i32_29 : i32, i32, i32, i32
  }
}

module attributes {stable_mosaic.version = 14 : i64} {
  func.func @_kernel_c_body(%arg0: i32, %arg1: memref<1x8x2x544x16xf32, #tpu.memory_space<vmem>>, %arg2: memref<544x256xf32, #tpu.memory_space<vmem>>, %arg3: memref<256x256xf32, #tpu.memory_space<vmem>>, %arg4: memref<1x256xf32, #tpu.memory_space<vmem>>, %arg5: memref<544x256xf32, #tpu.memory_space<vmem>>) attributes {dimension_semantics = [#tpu.dimension_semantics<arbitrary>], iteration_bounds = array<i64: 20>, scalar_prefetch = 0 : i64, scratch_operands = 0 : i64, tpu.core_type = #tpu.core_type<tc>, window_params = [{transform_indices = @transform_0, window_bounds = array<i64: 1, 8, 2, 544, 16>}, {transform_indices = @transform_1, window_bounds = array<i64: 544, 256>}, {pipeline_mode = #tpu.pipeline_mode<synchronous>, transform_indices = @transform_2, window_bounds = array<i64: 256, 256>}, {pipeline_mode = #tpu.pipeline_mode<synchronous>, transform_indices = @transform_3, window_bounds = array<i64: 1, 256>}, {transform_indices = @transform_4, window_bounds = array<i64: 544, 256>}]} {
    %get3A = arith.constant 0 : index
    %get3A_0 = arith.constant 0 : index
    %get3A_1 = arith.constant 0 : index
    %get3A_2 = arith.constant 0 : index
    %get3A_3 = arith.constant 0 : index
    %get3A_4 = vector.load %arg1[%get3A, %get3A_0, %get3A_1, %get3A_2, %get3A_3] : memref<1x8x2x544x16xf32, #tpu.memory_space<vmem>>, vector<1x1x1x544x16xf32>
    %get3A_5 = vector.shape_cast %get3A_4 : vector<1x1x1x544x16xf32> to vector<544x16xf32>
    %get3A_6 = arith.constant 0 : index
    %get3A_7 = arith.constant 0 : index
    %get3A_8 = arith.constant 1 : index
    %get3A_9 = arith.constant 0 : index
    %get3A_10 = arith.constant 0 : index
    %get3A_11 = vector.load %arg1[%get3A_6, %get3A_7, %get3A_8, %get3A_9, %get3A_10] : memref<1x8x2x544x16xf32, #tpu.memory_space<vmem>>, vector<1x1x1x544x16xf32>
    %get3A_12 = vector.shape_cast %get3A_11 : vector<1x1x1x544x16xf32> to vector<544x16xf32>
    %get3A_13 = arith.constant 0 : index
    %get3A_14 = arith.constant 1 : index
    %get3A_15 = arith.constant 0 : index
    %get3A_16 = arith.constant 0 : index
    %get3A_17 = arith.constant 0 : index
    %get3A_18 = vector.load %arg1[%get3A_13, %get3A_14, %get3A_15, %get3A_16, %get3A_17] : memref<1x8x2x544x16xf32, #tpu.memory_space<vmem>>, vector<1x1x1x544x16xf32>
    %get3A_19 = vector.shape_cast %get3A_18 : vector<1x1x1x544x16xf32> to vector<544x16xf32>
    %get3A_20 = arith.constant 0 : index
    %get3A_21 = arith.constant 1 : index
    %get3A_22 = arith.constant 1 : index
    %get3A_23 = arith.constant 0 : index
    %get3A_24 = arith.constant 0 : index
    %get3A_25 = vector.load %arg1[%get3A_20, %get3A_21, %get3A_22, %get3A_23, %get3A_24] : memref<1x8x2x544x16xf32, #tpu.memory_space<vmem>>, vector<1x1x1x544x16xf32>
    %get3A_26 = vector.shape_cast %get3A_25 : vector<1x1x1x544x16xf32> to vector<544x16xf32>
    %get3A_27 = arith.constant 0 : index
    %get3A_28 = arith.constant 2 : index
    %get3A_29 = arith.constant 0 : index
    %get3A_30 = arith.constant 0 : index
    %get3A_31 = arith.constant 0 : index
    %get3A_32 = vector.load %arg1[%get3A_27, %get3A_28, %get3A_29, %get3A_30, %get3A_31] : memref<1x8x2x544x16xf32, #tpu.memory_space<vmem>>, vector<1x1x1x544x16xf32>
    %get3A_33 = vector.shape_cast %get3A_32 : vector<1x1x1x544x16xf32> to vector<544x16xf32>
    %get3A_34 = arith.constant 0 : index
    %get3A_35 = arith.constant 2 : index
    %get3A_36 = arith.constant 1 : index
    %get3A_37 = arith.constant 0 : index
    %get3A_38 = arith.constant 0 : index
    %get3A_39 = vector.load %arg1[%get3A_34, %get3A_35, %get3A_36, %get3A_37, %get3A_38] : memref<1x8x2x544x16xf32, #tpu.memory_space<vmem>>, vector<1x1x1x544x16xf32>
    %get3A_40 = vector.shape_cast %get3A_39 : vector<1x1x1x544x16xf32> to vector<544x16xf32>
    %get3A_41 = arith.constant 0 : index
    %get3A_42 = arith.constant 3 : index
    %get3A_43 = arith.constant 0 : index
    %get3A_44 = arith.constant 0 : index
    %get3A_45 = arith.constant 0 : index
    %get3A_46 = vector.load %arg1[%get3A_41, %get3A_42, %get3A_43, %get3A_44, %get3A_45] : memref<1x8x2x544x16xf32, #tpu.memory_space<vmem>>, vector<1x1x1x544x16xf32>
    %get3A_47 = vector.shape_cast %get3A_46 : vector<1x1x1x544x16xf32> to vector<544x16xf32>
    %get3A_48 = arith.constant 0 : index
    %get3A_49 = arith.constant 3 : index
    %get3A_50 = arith.constant 1 : index
    %get3A_51 = arith.constant 0 : index
    %get3A_52 = arith.constant 0 : index
    %get3A_53 = vector.load %arg1[%get3A_48, %get3A_49, %get3A_50, %get3A_51, %get3A_52] : memref<1x8x2x544x16xf32, #tpu.memory_space<vmem>>, vector<1x1x1x544x16xf32>
    %get3A_54 = vector.shape_cast %get3A_53 : vector<1x1x1x544x16xf32> to vector<544x16xf32>
    %get3A_55 = arith.constant 0 : index
    %get3A_56 = arith.constant 4 : index
    %get3A_57 = arith.constant 0 : index
    %get3A_58 = arith.constant 0 : index
    %get3A_59 = arith.constant 0 : index
    %get3A_60 = vector.load %arg1[%get3A_55, %get3A_56, %get3A_57, %get3A_58, %get3A_59] : memref<1x8x2x544x16xf32, #tpu.memory_space<vmem>>, vector<1x1x1x544x16xf32>
    %get3A_61 = vector.shape_cast %get3A_60 : vector<1x1x1x544x16xf32> to vector<544x16xf32>
    %get3A_62 = arith.constant 0 : index
    %get3A_63 = arith.constant 4 : index
    %get3A_64 = arith.constant 1 : index
    %get3A_65 = arith.constant 0 : index
    %get3A_66 = arith.constant 0 : index
    %get3A_67 = vector.load %arg1[%get3A_62, %get3A_63, %get3A_64, %get3A_65, %get3A_66] : memref<1x8x2x544x16xf32, #tpu.memory_space<vmem>>, vector<1x1x1x544x16xf32>
    %get3A_68 = vector.shape_cast %get3A_67 : vector<1x1x1x544x16xf32> to vector<544x16xf32>
    %get3A_69 = arith.constant 0 : index
    %get3A_70 = arith.constant 5 : index
    %get3A_71 = arith.constant 0 : index
    %get3A_72 = arith.constant 0 : index
    %get3A_73 = arith.constant 0 : index
    %get3A_74 = vector.load %arg1[%get3A_69, %get3A_70, %get3A_71, %get3A_72, %get3A_73] : memref<1x8x2x544x16xf32, #tpu.memory_space<vmem>>, vector<1x1x1x544x16xf32>
    %get3A_75 = vector.shape_cast %get3A_74 : vector<1x1x1x544x16xf32> to vector<544x16xf32>
    %get3A_76 = arith.constant 0 : index
    %get3A_77 = arith.constant 5 : index
    %get3A_78 = arith.constant 1 : index
    %get3A_79 = arith.constant 0 : index
    %get3A_80 = arith.constant 0 : index
    %get3A_81 = vector.load %arg1[%get3A_76, %get3A_77, %get3A_78, %get3A_79, %get3A_80] : memref<1x8x2x544x16xf32, #tpu.memory_space<vmem>>, vector<1x1x1x544x16xf32>
    %get3A_82 = vector.shape_cast %get3A_81 : vector<1x1x1x544x16xf32> to vector<544x16xf32>
    %get3A_83 = arith.constant 0 : index
    %get3A_84 = arith.constant 6 : index
    %get3A_85 = arith.constant 0 : index
    %get3A_86 = arith.constant 0 : index
    %get3A_87 = arith.constant 0 : index
    %get3A_88 = vector.load %arg1[%get3A_83, %get3A_84, %get3A_85, %get3A_86, %get3A_87] : memref<1x8x2x544x16xf32, #tpu.memory_space<vmem>>, vector<1x1x1x544x16xf32>
    %get3A_89 = vector.shape_cast %get3A_88 : vector<1x1x1x544x16xf32> to vector<544x16xf32>
    %get3A_90 = arith.constant 0 : index
    %get3A_91 = arith.constant 6 : index
    %get3A_92 = arith.constant 1 : index
    %get3A_93 = arith.constant 0 : index
    %get3A_94 = arith.constant 0 : index
    %get3A_95 = vector.load %arg1[%get3A_90, %get3A_91, %get3A_92, %get3A_93, %get3A_94] : memref<1x8x2x544x16xf32, #tpu.memory_space<vmem>>, vector<1x1x1x544x16xf32>
    %get3A_96 = vector.shape_cast %get3A_95 : vector<1x1x1x544x16xf32> to vector<544x16xf32>
    %get3A_97 = arith.constant 0 : index
    %get3A_98 = arith.constant 7 : index
    %get3A_99 = arith.constant 0 : index
    %get3A_100 = arith.constant 0 : index
    %get3A_101 = arith.constant 0 : index
    %get3A_102 = vector.load %arg1[%get3A_97, %get3A_98, %get3A_99, %get3A_100, %get3A_101] : memref<1x8x2x544x16xf32, #tpu.memory_space<vmem>>, vector<1x1x1x544x16xf32>
    %get3A_103 = vector.shape_cast %get3A_102 : vector<1x1x1x544x16xf32> to vector<544x16xf32>
    %get3A_104 = arith.constant 0 : index
    %get3A_105 = arith.constant 7 : index
    %get3A_106 = arith.constant 1 : index
    %get3A_107 = arith.constant 0 : index
    %get3A_108 = arith.constant 0 : index
    %get3A_109 = vector.load %arg1[%get3A_104, %get3A_105, %get3A_106, %get3A_107, %get3A_108] : memref<1x8x2x544x16xf32, #tpu.memory_space<vmem>>, vector<1x1x1x544x16xf32>
    %get3A_110 = vector.shape_cast %get3A_109 : vector<1x1x1x544x16xf32> to vector<544x16xf32>
    %concatenate3A = tpu.concatenate %get3A_5, %get3A_12, %get3A_19, %get3A_26, %get3A_33, %get3A_40, %get3A_47, %get3A_54, %get3A_61, %get3A_68, %get3A_75, %get3A_82, %get3A_89, %get3A_96, %get3A_103, %get3A_110 in 1 : vector<544x16xf32>, vector<544x16xf32>, vector<544x16xf32>, vector<544x16xf32>, vector<544x16xf32>, vector<544x16xf32>, vector<544x16xf32>, vector<544x16xf32>, vector<544x16xf32>, vector<544x16xf32>, vector<544x16xf32>, vector<544x16xf32>, vector<544x16xf32>, vector<544x16xf32>, vector<544x16xf32>, vector<544x16xf32> -> vector<544x256xf32>
    %get3A_111 = arith.constant 0 : index
    %get3A_112 = arith.constant 0 : index
    %get3A_113 = vector.load %arg3[%get3A_111, %get3A_112] : memref<256x256xf32, #tpu.memory_space<vmem>>, vector<256x256xf32>
    %dot_general3A = arith.constant dense<0.000000e+00> : vector<544x256xf32>
    %dot_general3A_114 = tpu.matmul %concatenate3A, %get3A_113, %dot_general3A {dimension_numbers = #tpu.dot_dimension_numbers<[1], [0], [0], [1], [0, 0, 1, 1], [], []>, transpose_lhs_hint = false} : vector<544x256xf32>, vector<256x256xf32>, vector<544x256xf32> -> vector<544x256xf32>
    %get3A_115 = arith.constant 0 : index
    %get3A_116 = arith.constant 0 : index
    %get3A_117 = vector.load %arg4[%get3A_115, %get3A_116] : memref<1x256xf32, #tpu.memory_space<vmem>>, vector<1x256xf32>
    %add3A = vector.broadcast %get3A_117 : vector<1x256xf32> to vector<544x256xf32>
    %add3A_118 = arith.addf %dot_general3A_114, %add3A : vector<544x256xf32>
    %get3A_119 = arith.constant 0 : index
    %get3A_120 = arith.constant 0 : index
    %get3A_121 = vector.load %arg2[%get3A_119, %get3A_120] : memref<544x256xf32, #tpu.memory_space<vmem>>, vector<544x256xf32>
    %add3A_122 = arith.addf %add3A_118, %get3A_121 : vector<544x256xf32>
    %swap3A = arith.constant 0 : index
    %swap3A_123 = arith.constant 0 : index
    %swap3A_124 = vector.load %arg5[%swap3A, %swap3A_123] : memref<544x256xf32, #tpu.memory_space<vmem>>, vector<544x256xf32>
    tpu.vector_store %arg5[%swap3A, %swap3A_123], %add3A_122 {strides = array<i32>} : memref<544x256xf32, #tpu.memory_space<vmem>>, vector<544x256xf32>,
    return
  }
  func.func @transform_0(%arg0: i32) -> (i32, i32, i32, i32, i32) {
    %jit3A = arith.constant 10 : i32
    %div3A = arith.divsi %arg0, %jit3A : i32
    %sign3A = arith.constant 0 : i32
    %sign3A_0 = arith.cmpi sgt, %arg0, %sign3A : i32
    %sign3A_1 = arith.extui %sign3A_0 : i1 to i32
    %sign3A_2 = arith.constant 0 : i32
    %sign3A_3 = arith.cmpi slt, %arg0, %sign3A_2 : i32
    %sign3A_4 = arith.extui %sign3A_3 : i1 to i32
    %sign3A_5 = arith.subi %sign3A_1, %sign3A_4 : i32
    %sign3A_6 = arith.constant 0 : i32
    %sign3A_7 = arith.cmpi sgt, %jit3A, %sign3A_6 : i32
    %sign3A_8 = arith.extui %sign3A_7 : i1 to i32
    %sign3A_9 = arith.constant 0 : i32
    %sign3A_10 = arith.cmpi slt, %jit3A, %sign3A_9 : i32
    %sign3A_11 = arith.extui %sign3A_10 : i1 to i32
    %sign3A_12 = arith.subi %sign3A_8, %sign3A_11 : i32
    %ne3A = arith.cmpi ne, %sign3A_5, %sign3A_12 : i32
    %rem3A = arith.remsi %arg0, %jit3A : i32
    %ne3A_13 = arith.constant 0 : i32
    %ne3A_14 = arith.cmpi ne, %rem3A, %ne3A_13 : i32
    %and3A = arith.andi %ne3A, %ne3A_14 : i1
    %sub3A = arith.constant 1 : i32
    %sub3A_15 = arith.subi %div3A, %sub3A : i32
    %select_n3A = arith.select %and3A, %sub3A_15, %div3A : i32
    %jit3A_16 = arith.constant 10 : i32
    %eq3A = arith.constant 0 : i32
    %eq3A_17 = arith.cmpi eq, %jit3A_16, %eq3A : i32
    %jit3A_18 = arith.constant 1 : i32
    %select_n3A_19 = arith.select %eq3A_17, %jit3A_18, %jit3A_16 : i32
    %rem3A_20 = arith.remsi %arg0, %select_n3A_19 : i32
    %ne3A_21 = arith.constant 0 : i32
    %ne3A_22 = arith.cmpi ne, %rem3A_20, %ne3A_21 : i32
    %lt3A = arith.constant 0 : i32
    %lt3A_23 = arith.cmpi slt, %rem3A_20, %lt3A : i32
    %lt3A_24 = arith.constant 0 : i32
    %lt3A_25 = arith.cmpi slt, %select_n3A_19, %lt3A_24 : i32
    %ne3A_26 = arith.xori %lt3A_23, %lt3A_25 : i1
    %and3A_27 = arith.andi %ne3A_26, %ne3A_22 : i1
    %add3A = arith.addi %rem3A_20, %select_n3A_19 : i32
    %select_n3A_28 = arith.select %and3A_27, %add3A, %rem3A_20 : i32
    %c0_i32 = arith.constant 0 : i32
    %c0_i32_29 = arith.constant 0 : i32
    %c0_i32_30 = arith.constant 0 : i32
    %c0_i32_31 = arith.constant 0 : i32
    return %select_n3A, %c0_i32, %c0_i32_29, %select_n3A_28, %c0_i32_30 : i32, i32, i32, i32, i32
  }
  func.func @transform_1(%arg0: i32) -> (i32, i32) {
    %c0_i32 = arith.constant 0 : i32
    %c0_i32_0 = arith.constant 0 : i32
    return %arg0, %c0_i32 : i32, i32
  }
  func.func @transform_2(%arg0: i32) -> (i32, i32) {
    %c0_i32 = arith.constant 0 : i32
    %c0_i32_0 = arith.constant 0 : i32
    %c0_i32_1 = arith.constant 0 : i32
    return %c0_i32, %c0_i32_0 : i32, i32
  }
  func.func @transform_3(%arg0: i32) -> (i32, i32) {
    %c0_i32 = arith.constant 0 : i32
    %c0_i32_0 = arith.constant 0 : i32
    %c0_i32_1 = arith.constant 0 : i32
    return %c0_i32, %c0_i32_0 : i32, i32
  }
  func.func @transform_4(%arg0: i32) -> (i32, i32) {
    %c0_i32 = arith.constant 0 : i32
    %c0_i32_0 = arith.constant 0 : i32
    return %arg0, %c0_i32 : i32, i32
  }
}

</mosaic_0001>

<sc_bundles>
// kernel: kernel.5.cloned.1.call-start
scs
__scs_entry_jumppad:
0x0: {  	(pc) =	sbr.rel $0x88, $3  }
0x1: {  	(tag) =	ssettag $0x0;
	lr =	simm.s32 $0x1  }
0x2: {  	[smem:$0x3F96] =	sst lr;
	_ =	strace $0xD0000000  }
0x3: {  	_ = 	snop  }
0x4: {  	_ = 	snop  }
0x5: {  	_ = 	snop  }
0x6: {  	_ = 	snop  }
0x7: {  	_ = 	snop  }
__scs_overlays_trampoline_lowered:
0x8: {  	[smem:$0x3FA5] =	sst s0  }
0x9: {  	[smem:$0x3FA6] =	sst s1  }
0xa: {  	[smem:$0x3FA7] =	sst s2  }
0xb: {  	[smem:$0x3FA8] =	sst s3  }
0xc: {  	[smem:$0x3FA9] =	sst s4  }
0xd: {  	[smem:$0x3FAA] =	sst s5  }
0xe: {  	[smem:$0x3FAB] =	sst s6  }
0xf: {  	[smem:$0x3FAC] =	sst s7  }
0x10: {  	[smem:$0x3FAD] =	sst s8  }
0x11: {  	[smem:$0x3FAE] =	sst s9;
	s0 =	simm.s32 @!p0 $0x0  }
0x12: {  	s1 =	sld [smem:$0x3F94];
	s0 =	simm.s32 @p0 $0x1  }
0x13: {  	[smem:$0x3FAF] =	sst s0;
	s0 =	simm.s32 @!p1 $0x0  }
0x14: {  	s2 =	sld [smem:$0x3F93];
	s0 =	simm.s32 @p1 $0x1  }
0x15: {  	[smem:$0x3FB0] =	sst s0;
	s0 =	simm.s32 @!p2 $0x0  }
0x16: {  	s3 =	sld [smem:$0x3FDB];
	s0 =	simm.s32 @p2 $0x1  }
0x17: {  	s4 =	simm.s32 $0x1BF5;
	[smem:$0x3FB2] =	sst s0  }
0x18: {  	s0 =	sld [smem:$0x3F95];
	_ =	swait.ge [sflag:s4], $0x0  }
0x19: {  	s7 =	sld [smem:$0x3F96]  }
0x1a: {  	s8 =	sadd.s32 $0xFFFFE003, lr  }
0x1b: {  	s9 =	sadd.s32 $0xFFFFFEF7, lr;
	s5 =	simm.s32 $0xFFFFFFFF;
	p2 =	slt.u32 s8, $0xFFFFF086  }
0x1c: {  	p1 =	slt.u32 s9, $0xF7A;
	s5 =	simm.s32 @!p2 $0x0  }
0x1d: {  	s5 =	simm.s32 @p1 $0x1;
	p0 =	seq.s32 s7, s2  }
0x1e: {  	s7 =	smul.u32 @!p0 $0xF7A, s2;
	p2 =	seq.s32 @!p0 s5, $0x0  }
0x1f: {  	s9 =	smul.u32 $0xF7A, s1;
	s8 =	simm.s32 @!p0 $0x1BF5;
	p2 =	por !p2, p0  }
0x20: {  	[sflag:s8] =	ssyncset.s32 @!p0 $0xFFFFF086;
	s6 =	sadd.s32 @!p0 s3, s7;
	s7 =	simm.s32 @!p0 $0x108  }
0x21: {  	s3 =	sadd.s32 s3, s9;
	s6 =	sadd.s32 @!p0 $0x88, s6;
	s7 =	simm.s32 @p2 $0x1082  }
0x22: {  	[simem:s7], [sflag:s8] =	dma.local @!p0 [hbm:s6], $0xF7A  }
0x23: {  	s9 =	sor.u32 $0xD0000000, s2;
	s6 =	simm.s32 $0x108;
	_ =	swait.ge @!p0 [sflag:s8], $0x0  }
0x24: {  	s3 =	sadd.s32 $0x88, s3;
	s6 =	simm.s32 @!p1 $0x1082;
	[sflag:s4] =	ssyncset.s32 $0xFFFFF086  }
0x25: {  	[simem:s6], [sflag:s4] =	dma.local [hbm:s3], $0xF7A  }
0x26: {  	[smem:$0x3F96] =	sst s1;
	(tag) =	ssettag s2;
	_ =	strace s9  }
0x27: {  	s1 =	sld [smem:$0x3FA6]  }
0x28: {  	s2 =	sld [smem:$0x3FA7]  }
0x29: {  	s4 =	sld [smem:$0x3FA9]  }
0x2a: {  	p0 =	seq.s32 s5, $0x0;
	s5 =	sld [smem:$0x3FAA]  }
0x2b: {  	s6 =	sld [smem:$0x3FAB]  }
0x2c: {  	s7 =	sld [smem:$0x3FAC]  }
0x2d: {  	s3 =	simm.s32 $0x108;
	s8 =	sld [smem:$0x3FAD]  }
0x2e: {  	s3 =	simm.s32 @!p0 $0x1082;
	s9 =	sld [smem:$0x3FAE]  }
0x2f: {  	lr =	sadd.s32 s0, s3;
	s0 =	sld [smem:$0x3FA5]  }
0x30: {  	s3 =	sld [smem:$0x3FA8]  }
0x31: {  	[smem:$0x3FB1] =	sst s10  }
0x32: {  	s10 =	sld [smem:$0x3FAF];
	_ =	sdelay $0x3  }
0x33: {  	p0 =	seq.s32 s10, $0x1;
	s10 =	sld [smem:$0x3FB1];
	_ =	sdelay $0x3  }
0x34: {  	[smem:$0x3FB1] =	sst s10  }
0x35: {  	s10 =	sld [smem:$0x3FB0];
	_ =	sdelay $0x3  }
0x36: {  	p1 =	seq.s32 s10, $0x1;
	s10 =	sld [smem:$0x3FB1];
	_ =	sdelay $0x3  }
0x37: {  	[smem:$0x3FB1] =	sst s10  }
0x38: {  	s10 =	sld [smem:$0x3FB2]  }
0x39: {  	_ = 	snop;
	(pc) =	sbr.ind lr, $3  }
0x3a: {  	_ = 	snop  }
0x3b: {  	_ = 	snop  }
0x3c: {  	p2 =	seq.s32 s10, $0x1;
	s10 =	sld [smem:$0x3FB1]  }
0x3d: {  	_ =	shalt  }
0x3e: {  	_ =	shalt  }
0x3f: {  	_ =	shalt  }
0x40: {  	_ =	shalt  }
0x41: {  	_ =	shalt  }
0x42: {  	_ =	shalt  }
0x43: {  	_ =	shalt  }
0x44: {  	_ =	shalt  }
0x45: {  	_ =	shalt  }
0x46: {  	_ =	shalt  }
0x47: {  	_ =	shalt  }
0x48: {  	_ =	shalt  }
0x49: {  	_ =	shalt  }
0x4a: {  	_ =	shalt  }
0x4b: {  	_ =	shalt  }
0x4c: {  	_ =	shalt  }
0x4d: {  	_ =	shalt  }
0x4e: {  	_ =	shalt  }
0x4f: {  	_ =	shalt  }
0x50: {  	_ =	shalt  }
0x51: {  	_ =	shalt  }
0x52: {  	_ =	shalt  }
0x53: {  	_ =	shalt  }
0x54: {  	_ =	shalt  }
0x55: {  	_ =	shalt  }
0x56: {  	_ =	shalt  }
0x57: {  	_ =	shalt  }
0x58: {  	_ =	shalt  }
0x59: {  	_ =	shalt  }
0x5a: {  	_ =	shalt  }
0x5b: {  	_ =	shalt  }
0x5c: {  	_ =	shalt  }
0x5d: {  	_ =	shalt  }
0x5e: {  	_ =	shalt  }
0x5f: {  	_ =	shalt  }
0x60: {  	_ =	shalt  }
0x61: {  	_ =	shalt  }
0x62: {  	_ =	shalt  }
0x63: {  	_ =	shalt  }
0x64: {  	_ =	shalt  }
0x65: {  	_ =	shalt  }
0x66: {  	_ =	shalt  }
0x67: {  	_ =	shalt  }
0x68: {  	_ =	shalt  }
0x69: {  	_ =	shalt  }
0x6a: {  	_ =	shalt  }
0x6b: {  	_ =	shalt  }
0x6c: {  	_ =	shalt  }
0x6d: {  	_ =	shalt  }
0x6e: {  	_ =	shalt  }
0x6f: {  	_ =	shalt  }
0x70: {  	_ =	shalt  }
0x71: {  	_ =	shalt  }
0x72: {  	_ =	shalt  }
0x73: {  	_ =	shalt  }
0x74: {  	_ =	shalt  }
0x75: {  	_ =	shalt  }
0x76: {  	_ =	shalt  }
0x77: {  	_ =	shalt  }
0x78: {  	_ =	shalt  }
0x79: {  	_ =	shalt  }
0x7a: {  	_ =	shalt  }
0x7b: {  	_ =	shalt  }
0x7c: {  	_ =	shalt  }
0x7d: {  	_ =	shalt  }
0x7e: {  	_ =	shalt  }
0x7f: {  	_ =	shalt  }
0x80: {  	_ =	shalt  }
0x81: {  	_ =	shalt  }
0x82: {  	_ =	shalt  }
0x83: {  	_ =	shalt  }
0x84: {  	_ =	shalt  }
0x85: {  	_ =	shalt  }
0x86: {  	_ =	shalt  }
0x87: {  	_ =	shalt  }
.Lfunc_end0:
.L_simem_size_0:
called_computation_lowered:
.L_overlay_start_0:
0x88: {  	s2 =	sld [smem:$0x3FD9]  }
0x89: {  	s3 =	sld [smem:$0x3FFE];
	_ =	sdelay $0x1  }
0x8a: {  	s1 =	srdreg.scid  }
0x8b: {  	s0 =	sand.u32 $0x1, s1  }
0x8c: {  	s17 =	sshll.u32 s0, $0xA;
	s2 =	sadd.s32 s3, s2  }
0x8d: {  	s2 =	sadd.s32 s2, s17  }
0x8e: {  	[smem:$0x3FBD] =	sst s2  }
0x8f: {  	_ = 	snop  }
0x90: {  	s2 =	sld [smem:$0x3FD0];
	(tm) =	ssettm $0x1  }
0x91: {  	s18 =	sld [smem:$0x3FFB];
	_ =	sdelay $0x3  }
0x92: {  	_ =	strace s18  }
0x93: {  	s3 =	sld [smem:$0x3FFC];
	_ =	sdelay $0x3  }
0x94: {  	_ =	strace s3  }
0x95: {  	s3 =	sld [smem:$0x3FFD];
	_ =	sdelay $0x3  }
0x96: {  	_ =	strace s3  }
0x97: {  	_ =	strace $0x8FFFFFFF  }
0x98: {  	s19 =	sld [smem:$0x3FDB];
	_ =	sdelay $0x1  }
0x99: {  	s4 =	simm.s32 $_scs_section_size  }
0x9a: {  	s5 =	simm.s32 $_size__tile_overlayer_lowered;
	s6 =	simm.s32 $_tile_overlayer_lowered  }
0x9b: {  	s22 =	simm.s32 $0x1BFF;
	s21 =	sshll.u32 s6, $0x1;
	s3 =	sadd.s32 s4, s19  }
0x9c: {  	s7 =	simm.s32 $0x0;
	s20 =	sshll.u32 s5, $0x1;
	s5 =	sadd.s32 s21, s3  }
0x9d: {  	[timem:s7], [sflag:s22] =	dma.local [hbm:s5], s20  }
0x9e: {  	_ =	swait.ge [sflag:s22], s20  }
0x9f: {  	s4 =	ssub.s32 $0x0, s20;
	[sflag:s22] =	ssyncset.done $0x0  }
0xa0: {  	[sflag:s22] =	ssyncadd.s32 s4;
	_ =	sdelay $0x1  }
0xa1: {  	s23 =	simm.s32 $0x1B8B  }
0xa2: {  	_ =	swait.ge [sflag:s23], $0x1  }
0xa3: {  	[sflag:s23] =	ssyncset.done $0x0  }
0xa4: {  	s25 =	simm.s32 $0x1B8E;
	s24 =	sld [smem:$0x3FFE];
	[sflag:s23] =	ssyncadd.s32 $0xFFFFFFFF  }
0xa5: {  	s26 =	simm.s32 $execute0_lowered;
	[smem:$0x3FD2] =	sst s25  }
0xa6: {  	s5 =	sshll.u32 s26, $0x1;
	_ =	strace $0x80000046;
	[dreg:$0x1] =	wrdreg $0xFFFFFFFF  }
0xa7: {  	s28 =	simm.s32 $_size_execute0_lowered;
	s3 =	sadd.s32 s3, s5;
	[dreg:$0x0] =	wrdreg $0x0  }
0xa8: {  	s5 =	sshll.u32 s28, $0x1;
	[dreg:$0x2] =	wrdreg s3  }
0xa9: {  	[dreg:$0x3] =	wrdreg s5  }
0xaa: {  	[dreg:$0x4] =	wrdreg $0xC0  }
0xab: {  	_ =	task [dreg:s7], $0x5FFFF  }
0xac: {  	[dreg:$0x1] =	wrdreg $0xFFFFFFFF  }
0xad: {  	[dreg:$0x0] =	wrdreg $0x60  }
0xae: {  	[dreg:$0x2] =	wrdreg s2  }
0xaf: {  	[dreg:$0x3] =	wrdreg s24  }
0xb0: {  	[dreg:$0x4] =	wrdreg $0x9  }
0xb1: {  	_ =	task.clear_ibuf [dreg:s7], $0x5FFFF;
	_ =	strace $0x90000046  }
0xb2: {  	s29 =	simm.s32 $0x9;
	_ =	strace $0x80000048  }
0xb3: {  	_ =	swait.ge [sflag:s29], $0x1  }
0xb4: {  	[sflag:s29] =	ssyncadd.s32 $0xFFFFFFFF  }
0xb5: {  	_ =	strace $0x90000048  }
0xb6: {  	_ =	sfence  }
0xb7: {  	s30 =	sld [smem:$0x0];
	_ =	sdelay $0x2  }
0xb8: {  	s31 =	sshll.u32 s1, $0xD;
	s1 =	sshrl.u32 s1, $0x2  }
0xb9: {  	s3 =	sand.u32 $0x4000, s31;
	s1 =	sadd.s32 s1, s30  }
0xba: {  	s0 =	sor.u32 s3, s0;
	s1 =	sshll.u32 s1, $0x11  }
0xbb: {  	s0 =	sor.u32 s1, s0  }
0xbc: {  	s0 =	sadd.s32 $0x8F2B, s0  }
0xbd: {  	[sflag:s0] =	ssyncadd.remote.s32 $0x1  }
0xbe: {  	_ =	sfence.sel $0xFFFF  }
0xbf: {  	[dreg:$0x0] =	wrdreg $0xFFFFFFFF;
	(pc) =	sbr.abs _section_cstart, $3  }
0xc0: {  	[dreg:$0x1] =	wrdreg $0xFFFFFFFF  }
0xc1: {  	_ =	task.clear_ibuf [dreg:s7], $0x2FFFF;
	_ =	strace $0x9FFFFFFF  }
0xc2: {  	(tm) =	ssettm $0x7FFFFFFF  }
0xc3: {  	_ =	shalt  }
tec
execute0_lowered:
.L_overlay_start_1:
0x0: {  	(tag) =	ssettag $0x1  }
0x1: {  	s1 =	srdreg.scid;
	s8 =	rddreg [dreg:$0x0]  }
0x2: {  	s0 =	stileid.u32;
	s5 =	rddreg [dreg:$0x1]  }
0x3: {  	s4 =	simm.s32 $0x1;
	s6 =	sand.u32 $0x1, s1;
	s23 =	sshll.u32 s0, $0x1  }
0x4: {  	s13 =	simm.s32 $0x15400;
	s2 =	sor.u32 s6, s23;
	s1 =	sand.u32 $0x10, s23  }
0x5: {  	s3 =	ssub.s32 s2, s1;
	p0 =	sne.s32 s2, s1;
	s1 =	simm.s32 $0x1  }
0x6: {  	s14 =	simm.s32 $0x17C00;
	s24 =	sshra.s32 s3, $0x1F;
	s1 =	simm.s32 @!p0 $0x0  }
0x7: {  	s15 =	simm.s32 $0x1A400;
	s16 =	simm.s32 $0x0;
	s1 =	sor.u32 s1, s24  }
0x8: {  	p1 =	seq.s32 s6, $0x1;
	s25 =	sand.u32 $0x80, s3;
	p6 =	sne.s32 s1, $0x1  }
0x9: {  	s28 =	sand.u32 $0x8, s0;
	s26 =	sshrl.u32 s25, $0x7;
	p0 =	por !p6, !p1  }
0xa: {  	s6 =	ssub.s32 $0x2, s6;
	s2 =	sadd.s32 s26, s3;
	p0 =	por !p0, !p0  }
0xb: {  	s12 =	sshrl.u32 s6, $0x1;
	s7 =	sshra.s32 s2, $0x1;
	s4 =	simm.s32 @!p0 $0x0  }
0xc: {  	s12 =	ssub.s32 s6, s12;
	s1 =	rddreg [dreg:$0x2];
	s7 =	ssub.s32 s7, s4  }
0xd: {  	s2 =	simm.s32 $0x0;
	s9 =	sshll.u32 s7, $0x1;
	s10 =	sadd.s32 s28, s7  }
0xe: {  	[smem:$0x7FF] =	sst s2;
	s9 =	ssub.s32 s3, s9;
	s11 =	sshll.u32 s10, $0x1  }
0xf: {  	_ =	strace $0x80000047;
	s4 =	sadd.s32 $0xACA00, s5;
	s9 =	sadd.s32 s9, s11  }
0x10: {  	s31 =	sshll.u32 s7, $0x7;
	s7 =	simm.s32 $0x1;
	s11 =	sshrl.u32 s9, $0x3  }
0x11: {  	s30 =	sshrl.u32 s10, $0x3;
	s9 =	sshll.u32 s9, $0x7;
	s11 =	smul.u32 $0xAA000, s11  }
0x12: {  	s3 =	sadd.s32 $0x2A00, s5;
	s29 =	sand.u32 $0x380, s9;
	s9 =	smul.u32 $0x2A8000, s30  }
0x13: {  	s5 =	sadd.s32 $0x156A00, s5;
	s10 =	sand.u32 $0x380, s31;
	s6 =	sor.u32 s29, s11  }
0x14: {  	s9 =	sor.u32 s10, s9;
	s10 =	smax.u32 s12, $0x1;
	s11 =	sshrl.u32 s6, $0x3  }
0x15: {  	s12 =	simm.s32 $0x400;
	s8 =	sadd.s32 s8, s11;
	s11 =	simm.s32 $0x80  }
.LBB2_1:
0x16: {  	[tilespmem:s2], [sflag:$0x1] =	stream.strided.gather [hbm4b:s8+s11], $0x15400, s12, s11, $0x38;
	[tilespmem:$0x1AE00] =	vst v63  }
0x17: {  	_ =	swait.ge [sflag:s7], $0x15400  }
0x18: {  	[sflag:s7] =	ssyncset.done $0x0  }
0x19: {  	s17 =	simm.s32 $0x0;
	[sflag:s7] =	ssyncadd.s32 $0xFFFEAC00  }
.LBB2_2:
0x1a: {  	s18 =	smul.u32 $0x14000, s17;
	_ =	sdelay $0x1  }
0x1b: {  	s18 =	sadd.s32 s9, s18  }
0x1c: {  	s18 =	sshrl.u32 s18, $0x3  }
0x1d: {  	s19 =	sadd.s32 s3, s18  }
0x1e: {  	[tilespmem:s13], [sflag:$0x1] =	stream.strided.gather [hbm4b:s19+s11], $0x2800, s12, s11, $0x38;
	[tilespmem:$0x1AE00] =	vst v63  }
0x1f: {  	_ =	swait.ge [sflag:s7], $0x2800  }
0x20: {  	[sflag:s7] =	ssyncset.done $0x0  }
0x21: {  	s18 =	sadd.s32 s4, s18;
	[sflag:s7] =	ssyncadd.s32 $0xFFFFD800  }
0x22: {  	[tilespmem:s14], [sflag:$0x1] =	stream.strided.gather [hbm4b:s18+s11], $0x2800, s12, s11, $0x38;
	[tilespmem:$0x1AE00] =	vst v63  }
0x23: {  	_ =	swait.ge [sflag:s7], $0x2800  }
0x24: {  	[sflag:s7] =	ssyncset.done $0x0  }
0x25: {  	s19 =	simm.s32 $0x1A400;
	s18 =	simm.s32 $0x0;
	[sflag:s7] =	ssyncadd.s32 $0xFFFFD800  }
.LBB2_3:
0x26: {  	s20 =	sshra.s32 s18, $0x2  }
0x27: {  	v0 =	vld [tilespmem:s20+$0x15400];
	_ =	sdelay $0x4  }
0x28: {  	(v2sf) =	vpush v0, $0x0  }
0x29: {  	(v2sf) =	vpush v0, $0x1;
	_ =	sdelay $0x3  }
0x2a: {  	(v2sf) =	vpush v0, $0x2  }
0x2b: {  	(v2sf) =	vpush v0, $0x3  }
0x2c: {  	(v2sf) =	vpush v0, $0x4  }
0x2d: {  	(v2sf) =	vpush v0, $0x5  }
0x2e: {  	(v2sf) =	vpush v0, $0x6  }
0x2f: {  	(v2sf) =	vpush v0, $0x7;
	_ =	sdelay $0x1  }
0x30: {  	(v2sf) =	vpush v0, $0x8  }
0x31: {  	(v2sf) =	vpush v0, $0x9  }
0x32: {  	(v2sf) =	vpush v0, $0xA  }
0x33: {  	(v2sf) =	vpush v0, $0xB;
	s21 =	spop (v2sf)  }
0x34: {  	v1 =	vld [tilespmem:s20+$0x17C00];
	s22 =	spop (v2sf);
	(v2sf) =	vpush v0, $0xC  }
0x35: {  	v4 =	vld [tilespmem:s20+$0x15410]  }
0x36: {  	(v2sf) =	vpush v0, $0xD;
	_ =	sdelay $0x1  }
0x37: {  	s23 =	spop (v2sf);
	(v2sf) =	vpush v0, $0xE  }
0x38: {  	v6 =	vbroadcast v1, $0x0;
	s24 =	spop (v2sf);
	(v2sf) =	vpush v0, $0xF  }
0x39: {  	v7 =	vbroadcast v1, $0x1;
	v51 =	vbroadcast v1, $0x2;
	v2 =	vld [tilespmem:s21+$0x0];
	s25 =	spop (v2sf);
	(v2sf) =	vpush v4, $0x0  }
0x3a: {  	v52 =	vbroadcast v1, $0x3;
	v54 =	vbroadcast v1, $0x4;
	v3 =	vld [tilespmem:s22+$0x0];
	s26 =	spop (v2sf);
	(v2sf) =	vpush v4, $0x1  }
0x3b: {  	v55 =	vbroadcast v1, $0x5;
	v12 =	vbroadcast v1, $0x6;
	v5 =	vld [tilespmem:s23+$0x0];
	s28 =	spop (v2sf);
	(v2sf) =	vpush v4, $0x2  }
0x3c: {  	v59 =	vbroadcast v1, $0x7;
	v61 =	vbroadcast v1, $0x8;
	v8 =	vld [tilespmem:s24+$0x0];
	s29 =	spop (v2sf);
	(v2sf) =	vpush v4, $0x3  }
0x3d: {  	v63 =	vbroadcast v1, $0x9;
	v16 =	vbroadcast v1, $0xA;
	v50 =	vld [tilespmem:s25+$0x0]  }
0x3e: {  	v17 =	vbroadcast v1, $0xB;
	v24 =	vbroadcast v1, $0xC;
	v9 =	vld [tilespmem:s26+$0x0];
	s30 =	spop (v2sf)  }
0x3f: {  	v26 =	vbroadcast v1, $0xD;
	v48 =	vmul.f32 v2, v6;
	v10 =	vld [tilespmem:s28+$0x0];
	s31 =	spop (v2sf);
	(v2sf) =	vpush v4, $0x4  }
0x40: {  	v28 =	vbroadcast v1, $0xE;
	v49 =	vmul.f32 v3, v7;
	v11 =	vld [tilespmem:s29+$0x0];
	s22 =	spop (v2sf);
	(v2sf) =	vpush v4, $0x5  }
0x41: {  	v0 =	vadd.f32 $0.0e+00, v48;
	v5 =	vmul.f32 v5, v51;
	v13 =	vld [tilespmem:s30+$0x0];
	s23 =	spop (v2sf);
	(v2sf) =	vpush v4, $0x6  }
0x42: {  	v2 =	vadd.f32 $0.0e+00, v49;
	v53 =	vmul.f32 v8, v52;
	v8 =	vld [tilespmem:s20+$0x17C10];
	s24 =	spop (v2sf);
	(v2sf) =	vpush v4, $0x7  }
0x43: {  	v5 =	vadd.f32 $0.0e+00, v5;
	v3 =	vmul.f32 v50, v54;
	v56 =	vmul.f32 v9, v55  }
0x44: {  	v6 =	vadd.f32 $0.0e+00, v53;
	v58 =	vmul.f32 v10, v12;
	s25 =	spop (v2sf);
	(v2sf) =	vpush v4, $0x8  }
0x45: {  	v1 =	vbroadcast v1, $0xF;
	v0 =	vadd.f32 v3, v0;
	v2 =	vadd.f32 v56, v2  }
0x46: {  	v57 =	vld [tilespmem:s31+$0x0];
	v62 =	vmul.f32 v11, v59;
	v5 =	vadd.f32 v58, v5;
	s26 =	spop (v2sf);
	(v2sf) =	vpush v4, $0x9  }
0x47: {  	v14 =	vld [tilespmem:s23+$0x0];
	v3 =	vmul.f32 v13, v61;
	v34 =	vbroadcast v8, $0x0;
	s28 =	spop (v2sf);
	(v2sf) =	vpush v4, $0xA  }
0x48: {  	v60 =	vld [tilespmem:s22+$0x0];
	v35 =	vbroadcast v8, $0x1;
	v40 =	vbroadcast v8, $0x2;
	s29 =	spop (v2sf);
	(v2sf) =	vpush v4, $0xB  }
0x49: {  	v41 =	vbroadcast v8, $0x3;
	v46 =	vbroadcast v8, $0x4;
	s30 =	spop (v2sf);
	(v2sf) =	vpush v4, $0xC  }
0x4a: {  	v47 =	vbroadcast v8, $0x5;
	v49 =	vbroadcast v8, $0x6;
	v18 =	vld [tilespmem:s24+$0x0];
	s31 =	spop (v2sf);
	(v2sf) =	vpush v4, $0xD  }
0x4b: {  	v31 =	vld [tilespmem:s20+$0x15420];
	v52 =	vbroadcast v8, $0x7;
	v54 =	vbroadcast v8, $0x8;
	s22 =	spop (v2sf);
	(v2sf) =	vpush v4, $0xE  }
0x4c: {  	v58 =	vbroadcast v8, $0x9;
	v6 =	vadd.f32 v62, v6;
	v22 =	vmul.f32 v14, v17;
	v20 =	vld [tilespmem:s25+$0x0]  }
0x4d: {  	v19 =	vmul.f32 v57, v63;
	v0 =	vadd.f32 v3, v0;
	v21 =	vmul.f32 v60, v16;
	v23 =	vld [tilespmem:s26+$0x0]  }
0x4e: {  	v60 =	vbroadcast v8, $0xA;
	v6 =	vadd.f32 v22, v6;
	v22 =	vld [tilespmem:s20+$0x17C20];
	(v2sf) =	vpush v4, $0xF;
	s23 =	spop (v2sf)  }
0x4f: {  	v2 =	vadd.f32 v19, v2;
	v5 =	vadd.f32 v21, v5;
	v25 =	vld [tilespmem:s28+$0x0];
	v3 =	vmul.f32 v18, v24;
	s24 =	spop (v2sf)  }
0x50: {  	v18 =	vbroadcast v8, $0xB;
	v24 =	vbroadcast v8, $0xD;
	s25 =	spop (v2sf);
	(v2sf) =	vpush v31, $0x0  }
0x51: {  	v27 =	vld [tilespmem:s29+$0x0];
	v30 =	vmul.f32 v20, v26;
	v26 =	vbroadcast v8, $0xE;
	s26 =	spop (v2sf);
	(v2sf) =	vpush v31, $0x1  }
0x52: {  	v29 =	vld [tilespmem:s30+$0x0];
	v0 =	vadd.f32 v3, v0;
	v32 =	vmul.f32 v23, v28;
	v23 =	vbroadcast v8, $0xC  }
0x53: {  	v12 =	vld [tilespmem:s20+$0x17C30];
	v8 =	vbroadcast v8, $0xF;
	v16 =	vbroadcast v22, $0xA;
	s28 =	spop (v2sf);
	(v2sf) =	vpush v31, $0x2  }
0x54: {  	v33 =	vld [tilespmem:s31+$0x0];
	v17 =	vbroadcast v22, $0xB;
	v1 =	vmul.f32 v25, v1;
	v2 =	vadd.f32 v30, v2  }
0x55: {  	v15 =	vld [tilespmem:s22+$0x0];
	v9 =	vbroadcast v22, $0xF;
	v36 =	vadd.f32 v32, v5;
	s29 =	spop (v2sf);
	(v2sf) =	vpush v31, $0x3  }
0x56: {  	v39 =	vld [tilespmem:s23+$0x0];
	v37 =	vmul.f32 v27, v34;
	v1 =	vadd.f32 v1, v6;
	s30 =	spop (v2sf);
	(v2sf) =	vpush v31, $0x4  }
0x57: {  	v25 =	vld [tilespmem:s20+$0x15430];
	v38 =	vmul.f32 v29, v35;
	v29 =	vbroadcast v22, $0x0;
	s31 =	spop (v2sf);
	(v2sf) =	vpush v31, $0x5  }
0x58: {  	v42 =	vld [tilespmem:s24+$0x0];
	v35 =	vbroadcast v22, $0x2;
	v0 =	vadd.f32 v37, v0;
	s22 =	spop (v2sf);
	(v2sf) =	vpush v31, $0x6  }
0x59: {  	v43 =	vld [tilespmem:s25+$0x0];
	v44 =	vmul.f32 v33, v40;
	v33 =	vbroadcast v22, $0x1;
	s23 =	spop (v2sf);
	(v2sf) =	vpush v31, $0x7  }
0x5a: {  	v40 =	vbroadcast v22, $0x4;
	v2 =	vadd.f32 v38, v2;
	v48 =	vld [tilespmem:s26+$0x0];
	s24 =	spop (v2sf);
	(v2sf) =	vpush v31, $0x8  }
0x5b: {  	v45 =	vmul.f32 v15, v41;
	v38 =	vbroadcast v22, $0x3;
	v50 =	vld [tilespmem:s28+$0x0];
	(v2sf) =	vpush v31, $0x9  }
0x5c: {  	v3 =	vadd.f32 v44, v36;
	v6 =	vmul.f32 v39, v46;
	v53 =	vld [tilespmem:s29+$0x0];
	(v2sf) =	vpush v31, $0xA  }
0x5d: {  	v44 =	vbroadcast v22, $0x5;
	v46 =	vbroadcast v22, $0x6;
	v55 =	vld [tilespmem:s30+$0x0];
	s25 =	spop (v2sf);
	(v2sf) =	vpush v31, $0xB  }
0x5e: {  	v1 =	vadd.f32 v45, v1;
	v51 =	vmul.f32 v42, v47;
	v59 =	vld [tilespmem:s31+$0x0];
	(v2sf) =	vpush v31, $0xC  }
0x5f: {  	v4 =	vmul.f32 v43, v49;
	v0 =	vadd.f32 v6, v0;
	v61 =	vld [tilespmem:s22+$0x0];
	s26 =	spop (v2sf);
	(v2sf) =	vpush v31, $0xD  }
0x60: {  	v2 =	vadd.f32 v51, v2;
	v56 =	vmul.f32 v48, v52;
	v63 =	vld [tilespmem:s23+$0x0];
	s28 =	spop (v2sf);
	(v2sf) =	vpush v31, $0xE  }
0x61: {  	v3 =	vadd.f32 v4, v3;
	v57 =	vmul.f32 v50, v54;
	v50 =	vbroadcast v22, $0x7;
	v19 =	vld [tilespmem:s24+$0x0]  }
0x62: {  	v1 =	vadd.f32 v56, v1;
	v62 =	vmul.f32 v53, v58;
	v20 =	vld [tilespmem:s25+$0x0];
	s29 =	spop (v2sf);
	(v2sf) =	vpush v31, $0xF  }
0x63: {  	v56 =	vbroadcast v22, $0x9;
	v0 =	vadd.f32 v57, v0;
	v27 =	vld [tilespmem:s26+$0x0];
	(v2sf) =	vpush v25, $0x0  }
0x64: {  	v4 =	vmul.f32 v55, v60;
	v55 =	vbroadcast v22, $0x8;
	v28 =	vld [tilespmem:s28+$0x0];
	s30 =	spop (v2sf);
	(v2sf) =	vpush v25, $0x1  }
0x65: {  	v2 =	vadd.f32 v62, v2;
	v21 =	vmul.f32 v59, v18;
	v30 =	vld [tilespmem:s29+$0x0];
	s31 =	spop (v2sf);
	(v2sf) =	vpush v25, $0x2  }
0x66: {  	v62 =	vbroadcast v22, $0xC;
	v3 =	vadd.f32 v4, v3;
	v34 =	vld [tilespmem:s30+$0x0];
	s22 =	spop (v2sf);
	(v2sf) =	vpush v25, $0x3  }
0x67: {  	v10 =	vmul.f32 v61, v23;
	v1 =	vadd.f32 v21, v1;
	v36 =	vld [tilespmem:s31+$0x0];
	s23 =	spop (v2sf);
	(v2sf) =	vpush v25, $0x4  }
0x68: {  	v6 =	vmul.f32 v63, v24;
	v63 =	vbroadcast v22, $0xD;
	v39 =	vld [tilespmem:s22+$0x0];
	s24 =	spop (v2sf);
	(v2sf) =	vpush v25, $0x5  }
0x69: {  	v4 =	vmul.f32 v19, v26;
	v0 =	vadd.f32 v10, v0;
	v41 =	vld [tilespmem:s23+$0x0];
	s25 =	spop (v2sf);
	(v2sf) =	vpush v25, $0x6  }
0x6a: {  	v2 =	vadd.f32 v6, v2;
	v31 =	vmul.f32 v20, v8;
	v43 =	vld [tilespmem:s24+$0x0];
	s26 =	spop (v2sf);
	(v2sf) =	vpush v25, $0x7  }
0x6b: {  	v3 =	vadd.f32 v4, v3;
	v32 =	vmul.f32 v27, v29;
	v45 =	vld [tilespmem:s25+$0x0];
	s28 =	spop (v2sf);
	(v2sf) =	vpush v25, $0x8  }
0x6c: {  	v21 =	vbroadcast v22, $0xE;
	v1 =	vadd.f32 v31, v1;
	v47 =	vld [tilespmem:s26+$0x0];
	s29 =	spop (v2sf);
	(v2sf) =	vpush v25, $0x9  }
0x6d: {  	v29 =	vbroadcast v12, $0x0;
	v0 =	vadd.f32 v32, v0;
	v49 =	vld [tilespmem:s28+$0x0];
	s30 =	spop (v2sf);
	(v2sf) =	vpush v25, $0xA  }
0x6e: {  	v32 =	vbroadcast v12, $0x2;
	v37 =	vmul.f32 v28, v33;
	v51 =	vld [tilespmem:s29+$0x0];
	s31 =	spop (v2sf);
	(v2sf) =	vpush v25, $0xB  }
0x6f: {  	v33 =	vbroadcast v12, $0x3;
	v4 =	vmul.f32 v30, v35;
	v52 =	vld [tilespmem:s30+$0x0];
	s22 =	spop (v2sf);
	(v2sf) =	vpush v25, $0xC  }
0x70: {  	v30 =	vbroadcast v12, $0x1;
	v2 =	vadd.f32 v37, v2;
	v54 =	vld [tilespmem:s31+$0x0];
	(v2sf) =	vpush v25, $0xD  }
0x71: {  	v42 =	vmul.f32 v34, v38;
	v38 =	vbroadcast v12, $0x4;
	v57 =	vld [tilespmem:s22+$0x0];
	s23 =	spop (v2sf);
	(v2sf) =	vpush v25, $0xE  }
0x72: {  	v3 =	vadd.f32 v4, v3;
	v5 =	vmul.f32 v36, v40;
	v18 =	vld [tilespmem:s23+$0x0];
	s24 =	spop (v2sf);
	(v2sf) =	vpush v25, $0xF  }
0x73: {  	v1 =	vadd.f32 v42, v1;
	v48 =	vmul.f32 v39, v44;
	v39 =	vbroadcast v12, $0x5;
	s25 =	spop (v2sf);
	v61 =	vld [tilespmem:s24+$0x0]  }
0x74: {  	v42 =	vbroadcast v12, $0x7;
	v0 =	vadd.f32 v5, v0;
	v4 =	vmul.f32 v41, v46;
	s26 =	spop (v2sf);
	v20 =	vld [tilespmem:s25+$0x0]  }
0x75: {  	v41 =	vbroadcast v12, $0x6;
	v2 =	vadd.f32 v48, v2;
	v53 =	vmul.f32 v43, v50;
	s28 =	spop (v2sf);
	v22 =	vld [tilespmem:s26+$0x0]  }
0x76: {  	v50 =	vbroadcast v12, $0x9;
	v3 =	vadd.f32 v4, v3;
	v8 =	vmul.f32 v45, v55;
	s29 =	spop (v2sf);
	v25 =	vld [tilespmem:s28+$0x0]  }
0x77: {  	v58 =	vmul.f32 v47, v56;
	v1 =	vadd.f32 v53, v1;
	v53 =	vbroadcast v12, $0xB;
	s30 =	spop (v2sf);
	v28 =	vld [tilespmem:s29+$0x0]  }
0x78: {  	v59 =	vmul.f32 v49, v16;
	v0 =	vadd.f32 v8, v0;
	v49 =	vbroadcast v12, $0x8;
	s31 =	spop (v2sf);
	v31 =	vld [tilespmem:s30+$0x0]  }
0x79: {  	v60 =	vmul.f32 v51, v17;
	v2 =	vadd.f32 v58, v2;
	v58 =	vbroadcast v12, $0xC;
	s22 =	spop (v2sf);
	v34 =	vld [tilespmem:s31+$0x0]  }
0x7a: {  	v3 =	vadd.f32 v59, v3;
	v23 =	vmul.f32 v52, v62;
	v52 =	vbroadcast v12, $0xA;
	s23 =	spop (v2sf);
	v36 =	vld [tilespmem:s22+$0x0]  }
0x7b: {  	v59 =	vbroadcast v12, $0xD;
	v24 =	vmul.f32 v54, v63;
	v1 =	vadd.f32 v60, v1;
	s24 =	spop (v2sf);
	v37 =	vld [tilespmem:s23+$0x0]  }
0x7c: {  	v60 =	vbroadcast v12, $0xE;
	v0 =	vadd.f32 v23, v0;
	v26 =	vmul.f32 v57, v21;
	s25 =	spop (v2sf);
	v40 =	vld [tilespmem:s24+$0x0]  }
0x7d: {  	v2 =	vadd.f32 v24, v2;
	v27 =	vmul.f32 v18, v9;
	v4 =	vmul.f32 v61, v29;
	s26 =	spop (v2sf);
	v43 =	vld [tilespmem:s25+$0x0]  }
0x7e: {  	v3 =	vadd.f32 v26, v3;
	v61 =	vbroadcast v12, $0xF;
	v35 =	vmul.f32 v20, v30;
	v45 =	vld [tilespmem:s26+$0x0];
	s28 =	spop (v2sf)  }
0x7f: {  	v1 =	vadd.f32 v27, v1;
	v5 =	vmul.f32 v22, v32;
	v6 =	vmul.f32 v25, v33;
	s29 =	spop (v2sf);
	v48 =	vld [tilespmem:s28+$0x0]  }
0x80: {  	v0 =	vadd.f32 v4, v0;
	v2 =	vadd.f32 v35, v2;
	v4 =	vmul.f32 v28, v38;
	s30 =	spop (v2sf);
	v51 =	vld [tilespmem:s29+$0x0]  }
0x81: {  	v3 =	vadd.f32 v5, v3;
	v44 =	vmul.f32 v31, v39;
	v1 =	vadd.f32 v6, v1;
	v54 =	vld [tilespmem:s30+$0x0];
	s31 =	spop (v2sf)  }
0x82: {  	v46 =	vmul.f32 v34, v41;
	v0 =	vadd.f32 v4, v0;
	v47 =	vmul.f32 v36, v42;
	v56 =	vld [tilespmem:s31+$0x0]  }
0x83: {  	v2 =	vadd.f32 v44, v2;
	v4 =	vmul.f32 v37, v49;
	v55 =	vmul.f32 v40, v50  }
0x84: {  	v3 =	vadd.f32 v46, v3;
	v1 =	vadd.f32 v47, v1;
	v5 =	vmul.f32 v43, v52  }
0x85: {  	v0 =	vadd.f32 v4, v0;
	v57 =	vmul.f32 v45, v53;
	v2 =	vadd.f32 v55, v2  }
0x86: {  	v3 =	vadd.f32 v5, v3;
	v4 =	vmul.f32 v48, v58;
	v62 =	vmul.f32 v51, v59  }
0x87: {  	v1 =	vadd.f32 v57, v1;
	v6 =	vmul.f32 v54, v60;
	v63 =	vmul.f32 v56, v61  }
0x88: {  	v0 =	vadd.f32 v4, v0;
	v2 =	vadd.f32 v62, v2  }
0x89: {  	v3 =	vadd.f32 v6, v3;
	v1 =	vadd.f32 v63, v1  }
0x8a: {  	p0 =	sne.s32 s18, $0x9F00  }
.Ltmp0:
0x8b: {  	v0 =	vadd.f32 v2, v0;
	v1 =	vadd.f32 v1, v3;
	(pc) =	sbr.rel @p0 .LBB2_3-.Ltmp0, $3  }
0x8c: {  	_ = 	snop  }
0x8d: {  	v0 =	vadd.f32 v1, v0;
	_ =	sdelay $0x1  }
0x8e: {  	s18 =	sadd.s32 $0x100, s18;
	[tilespmem:s19+$0x0] =	vst v0;
	s19 =	sadd.s32 $0x10, s19  }
0x8f: {  	s18 =	smul.u32 $0x5000, s17;
	_ =	sdelay $0x1  }
0x90: {  	s17 =	sadd.s32 $0x1, s17;
	s18 =	sadd.s32 s6, s18  }
0x91: {  	p0 =	sne.s32 s17, $0x22;
	s18 =	sshrl.u32 s18, $0x3  }
.Ltmp1:
0x92: {  	s18 =	sadd.s32 s5, s18;
	(pc) =	sbr.rel @p0 .LBB2_2-.Ltmp1, $4  }
0x93: {  	[hbm4b:s18+s11] =	stream.strided.scatter [tilespmem:s15], [sflag:$0x1], $0xA00, s12, s11, $0x38;
	[tilespmem:$0x1AE00] =	vst v63  }
0x94: {  	_ =	swait.ge [sflag:s7], $0xA00  }
0x95: {  	[sflag:s7] =	ssyncset.done $0x0  }
0x96: {  	[sflag:s7] =	ssyncadd.s32 $0xFFFFF600  }
0x97: {  	s16 =	sadd.s32 $0x1, s16  }
0x98: {  	p0 =	sne.s32 s16, s10  }
.Ltmp2:
0x99: {  	_ = 	snop;
	(pc) =	sbr.rel @p0 .LBB2_1-.Ltmp2, $1  }
0x9a: {  	_ =	sdelay $0x3  }
0x9b: {  	_ =	sfence.sel $0x180000  }
0x9c: {  	[bflag:$0x0] =	sbarrier.arrive $0xFFFF  }
0x9d: {  	p0 =	sne.s32 s0, $0x0;
	_ =	strace $0x90000047  }
0x9e: {  	s0 =	sadd.s32 @!p0 $0x100000, s1;
	[bflag:$0x2] =	sbarrier.arrive $0xFFFF  }
0x9f: {  	[sflag:s0] =	ssyncadd.tile.s32 @!p0 $0x1;
	_ =	shalt  }
.Lfunc_end2:
_tile_overlayer_lowered:
.L_overlay_start_2:
0xa0: {  	(tag) =	ssettag $0x2  }
0xa1: {  	s0 =	rddreg [dreg:$0x0];
	s2 =	stileid.u32  }
0xa2: {  	s1 =	rddreg [dreg:$0x1];
	p0 =	sne.s32 s2, $0x0  }
0xa3: {  	s3 =	rddreg [dreg:$0x2];
	[bflag:$0x3] =	sbarrier.arrive $0xFFFF;
	s2 =	simm.s32 @!p0 $0x1C01  }
0xa4: {  	[timem:s3], [sflag:s2] =	dma.local @!p0 [hbm:s0], s1  }
0xa5: {  	s0 =	simm.s32 @!p0 $0x1  }
0xa6: {  	_ =	swait.ge @!p0 [sflag:s0], s1  }
0xa7: {  	s1 =	ssub.s32 @!p0 $0x0, s1;
	[sflag:s0] =	ssyncset.done @!p0 $0x0  }
0xa8: {  	[sflag:s0] =	ssyncadd.s32 @!p0 s1  }
0xa9: {  	[bflag:$0x3] =	sbarrier.arrive $0xFFFF  }
0xaa: {  	_ =	shalt  }

</sc_bundles>
